<compile_context>
chip_gen: v7x
topology: tpu7x:2x2x1
jax: 0.10.2.dev20260603
libtpu: 0.0.44.dev20260713+nightly
codegen_flags: <defaults>
</compile_context>

<pallas_src>
import functools

import jax
import jax.numpy as jnp
from jax import lax
from jax.experimental import pallas as pl
from jax.experimental.pallas import tpu as pltpu
from jax.experimental.pallas import tpu_sc as plsc

N = 50000
E = 800000
HID = 10
MSG = 10
NCLS = 16
NT = 8

LP = 16
NY = 50176
BN = 7168
NM = 51200
ROWS_PER_TILE = NM // 16
ZCOPIES = ROWS_PER_TILE // 128
NC, NS = 2, 16
NW = NC * NS
CH = 128
NCHUNK = 196
EPW = NCHUNK * CH
EPAD = NW * EPW


NPK = NY // 8
BPK = BN // 8


def _ytab_body(f_ref, wt_ref, y_ref):
    y_ref[...] = lax.dot_general(
        f_ref[...], wt_ref[0], (((1,), (0,)), ((), ())),
        preferred_element_type=jnp.float32)


def _compute_ytab(f2, wt_bd):
    return pl.pallas_call(
        _ytab_body,
        grid=(NY // BN, NT),
        in_specs=[
            pl.BlockSpec((BPK, CH), lambda i, t: (i, 0)),
            pl.BlockSpec((1, CH, CH), lambda i, t: (t, 0, 0)),
        ],
        out_specs=pl.BlockSpec((BPK, CH), lambda i, t: (t * (NY // BN) + i, 0)),
        out_shape=jax.ShapeDtypeStruct((NT * NPK, CH), jnp.float32),
    )(f2, wt_bd)


def _gidx_body(src_ref, typ_ref, g_ref):
    g_ref[...] = typ_ref[...] * NY + src_ref[...]


def _compute_gidx(src2, typ2):
    rows = EPAD // CH
    blk = rows // 8
    return pl.pallas_call(
        _gidx_body,
        grid=(8,),
        in_specs=[pl.BlockSpec((blk, CH), lambda i: (i, 0)),
                  pl.BlockSpec((blk, CH), lambda i: (i, 0))],
        out_specs=pl.BlockSpec((blk, CH), lambda i: (i, 0)),
        out_shape=jax.ShapeDtypeStruct((rows, CH), jnp.int32),
    )(src2.reshape(rows, CH), typ2.reshape(rows, CH)).reshape(NW, EPW)


G = 14
NGROUPS = NCHUNK // G
GR = G * CH


def _edge_body(y_hbm, g_hbm, dst_hbm, out_hbm,
               gi_v, di_v, rows_v, m_sh, sem_i, sem_g, sem_s):
    c = lax.axis_index("c")
    s = lax.axis_index("s")
    wid = s * NC + c

    def zrow(j, _):
        rows_v[0, j, :] = jnp.zeros((LP,), jnp.float32)
        return 0
    lax.fori_loop(0, CH, zrow, 0, unroll=8)

    zsrc = rows_v.at[0, pl.ds(0, CH)]

    def zcopy(k, _):
        pltpu.sync_copy(zsrc, m_sh.at[pl.ds(s * ROWS_PER_TILE + k * CH, CH)])
        return 0
    lax.fori_loop(0, ZCOPIES, zcopy, 0)

    def fire_idx(g, b):
        pltpu.async_copy(g_hbm.at[wid, pl.ds(g * GR, GR)], gi_v.at[b], sem_i)
        pltpu.async_copy(dst_hbm.at[wid, pl.ds(g * G, G)], di_v.at[b], sem_i)

    def wait_idx(b):
        pltpu.make_async_copy(g_hbm.at[0, pl.ds(0, GR)], gi_v.at[b],
                              sem_i).wait()
        pltpu.make_async_copy(dst_hbm.at[0, pl.ds(0, G)], di_v.at[b],
                              sem_i).wait()

    def fire_gather(b):
        pltpu.async_copy(y_hbm.at[gi_v.at[b]], rows_v.at[b], sem_g)

    def wait_gather(b):
        pltpu.make_async_copy(y_hbm.at[gi_v.at[b]], rows_v.at[b],
                              sem_g).wait()

    def scatter(b):
        descs = []
        for j in range(G):
            descs.append(pltpu.async_copy(
                rows_v.at[b, pl.ds(j * CH, CH)],
                m_sh.at[di_v.at[b, j]], sem_s, add=True))
        for d in descs:
            d.wait()

    fire_idx(0, 0)

    plsc.subcore_barrier()

    wait_idx(0)
    fire_gather(0)
    fire_idx(1, 1)

    def step(g, _):
        b = lax.rem(g, 2)
        wait_idx(b)
        wait_gather(1 - b)
        fire_gather(b)
        scatter(1 - b)

        @pl.when(g + 1 < NGROUPS)
        def _():
            fire_idx(g + 1, 1 - b)
        return 0
    lax.fori_loop(1, NGROUPS, step, 0)

    lb = (NGROUPS - 1) % 2
    wait_gather(lb)
    scatter(lb)

    plsc.subcore_barrier()

    rs = pl.ds(s * ROWS_PER_TILE, ROWS_PER_TILE)
    pltpu.sync_copy(m_sh.at[rs], out_hbm.at[c, rs])


def _edge_aggregate(y2, g2, dst2):
    mesh = plsc.VectorSubcoreMesh(core_axis_name="c", subcore_axis_name="s")
    run = pl.kernel(
        _edge_body,
        out_type=jax.ShapeDtypeStruct((NC, NM, LP), jnp.float32),
        mesh=mesh,
        scratch_types=[
            pltpu.VMEM((2, GR), jnp.int32),
            pltpu.VMEM((2, G, CH), jnp.int32),
            pltpu.VMEM((2, GR, LP), jnp.float32),
            pltpu.VMEM_SHARED((NM, LP), jnp.float32),
            pltpu.SemaphoreType.DMA,
            pltpu.SemaphoreType.DMA,
            pltpu.SemaphoreType.DMA,
        ],
        compiler_params=pltpu.CompilerParams(use_tc_tiling_on_sc=False),
    )
    return run(y2, g2, dst2)


def _gru_body(m_ref, f_ref, w_ref, b_ref, o_ref):
    m = m_ref[0] + m_ref[1]
    f = f_ref[...]
    dn = (((1,), (0,)), ((), ()))
    dot = functools.partial(lax.dot_general, dimension_numbers=dn,
                            preferred_element_type=jnp.float32)
    r = jax.nn.sigmoid(dot(m, w_ref[0]) + dot(f, w_ref[3]) + b_ref[0])
    z = jax.nn.sigmoid(dot(m, w_ref[1]) + dot(f, w_ref[4]) + b_ref[1])
    n = jnp.tanh(dot(m, w_ref[2]) + b_ref[2] + r * (dot(f, w_ref[5]) + b_ref[3]))
    h = (1.0 - z) * n + z * f
    o_ref[...] = dot(h, w_ref[6]) + b_ref[4]


def _gru_readout(m2, f2, w_bd, b_tile):
    return pl.pallas_call(
        _gru_body,
        grid=(NY // BN,),
        in_specs=[
            pl.BlockSpec((NC, BPK, CH), lambda i: (0, i, 0)),
            pl.BlockSpec((BPK, CH), lambda i: (i, 0)),
            pl.BlockSpec((7, CH, CH), lambda i: (0, 0, 0)),
            pl.BlockSpec((5, 1, CH), lambda i: (0, 0, 0)),
        ],
        out_specs=pl.BlockSpec((BPK, CH), lambda i: (i, 0)),
        out_shape=jax.ShapeDtypeStruct((NPK, CH), jnp.float32),
    )(m2, f2, w_bd, b_tile)


def kernel(features, edge_index, edge_types, edge_table,
           W_ih, W_hh, b_ih, b_hh, W_out, b_out):
    f32 = jnp.float32
    f2 = (jnp.zeros((NPK, 8, LP), f32)
          .at[:N // 8, :, :HID].set(features.reshape(N // 8, 8, HID))
          .reshape(NPK, CH))

    eye8 = jnp.eye(8, dtype=f32)

    def bdiag(w16):
        return jnp.einsum('kK,hm->khKm', eye8, w16).reshape(CH, CH)

    at = edge_table.reshape(NT, MSG, HID)
    at_pad = jnp.zeros((NT, LP, LP), f32).at[:, :MSG, :HID].set(at)
    wt_bd = jnp.einsum('kK,tmh->tkhKm', eye8, at_pad).reshape(NT, CH, CH)

    src = edge_index[0]
    dst = edge_index[1]
    pad = EPAD - E
    src2 = jnp.concatenate(
        [src, jnp.zeros((pad,), jnp.int32)]).reshape(NW, NCHUNK, CH)
    typ2 = jnp.concatenate(
        [edge_types, jnp.zeros((pad,), jnp.int32)]).reshape(NW, NCHUNK, CH)
    dst2 = jnp.concatenate(
        [dst, jnp.full((pad,), N, jnp.int32)]).reshape(NW, NCHUNK, CH)

    def wpad(w):
        return jnp.zeros((LP, LP), f32).at[:w.shape[1], :w.shape[0]].set(w.T)
    w_bd = jnp.stack([
        bdiag(wpad(W_ih[0:HID])), bdiag(wpad(W_ih[HID:2 * HID])),
        bdiag(wpad(W_ih[2 * HID:])),
        bdiag(wpad(W_hh[0:HID])), bdiag(wpad(W_hh[HID:2 * HID])),
        bdiag(wpad(W_hh[2 * HID:])),
        bdiag(jnp.zeros((LP, LP), f32).at[:HID, :NCLS].set(W_out.T)),
    ])

    def btile(b):
        return jnp.tile(
            jnp.zeros((1, LP), f32).at[0, :b.shape[0]].set(b), (1, 8))
    b_tile = jnp.stack([
        btile(b_ih[0:HID] + b_hh[0:HID]),
        btile(b_ih[HID:2 * HID] + b_hh[HID:2 * HID]),
        btile(b_ih[2 * HID:]),
        btile(b_hh[2 * HID:]),
        btile(b_out),
    ])

    ytab = _compute_ytab(f2, wt_bd)
    y2 = ytab.reshape(NT * NY, LP)

    g2 = _compute_gidx(src2, typ2)
    m_part = _edge_aggregate(y2, g2, dst2)

    m2 = m_part.reshape(NC, NM // 8, CH)
    out2 = _gru_readout(m2, f2, w_bd, b_tile)
    return out2.reshape(NY, LP)[:N, :NCLS]

# --- scband reference (transcript-rebuilt; emitter-appended) ---
"""Pipeline reference for scband-ggnn-87917980549369 (READ-ONLY COPY).

The authoritative reference and input builder live on the scoring server;
editing this copy changes nothing except your own understanding.
"""

import jax, jax.numpy as jnp
import numpy as np

N = 50000
E = 800000
MSG = 10
HID = 10
NUM_CLASSES = 16
NUM_EDGE_TYPE = 8


def setup_inputs(seed: int = 0) -> dict:
    key = jax.random.key(seed)
    ks = jax.random.split(key, 10)
    features = jax.random.normal(ks[0], (N, HID), dtype=jnp.float32)
    edge_index = jax.random.randint(ks[1], (2, E), 0, N, dtype=jnp.int32)
    edge_types = jax.random.randint(ks[2], (E,), 0, NUM_EDGE_TYPE, dtype=jnp.int32)
    # learned parameters
    edge_table = jax.random.normal(ks[3], (NUM_EDGE_TYPE, MSG * HID), dtype=jnp.float32) * 0.1
    W_ih = jax.random.normal(ks[4], (3 * HID, MSG), dtype=jnp.float32) * (1.0 / np.sqrt(HID))
    W_hh = jax.random.normal(ks[5], (3 * HID, HID), dtype=jnp.float32) * (1.0 / np.sqrt(HID))
    b_ih = jax.random.normal(ks[6], (3 * HID,), dtype=jnp.float32) * 0.01
    b_hh = jax.random.normal(ks[7], (3 * HID,), dtype=jnp.float32) * 0.01
    W_out = jax.random.normal(ks[8], (NUM_CLASSES, HID), dtype=jnp.float32) * (1.0 / np.sqrt(HID))
    b_out = jnp.zeros((NUM_CLASSES,), dtype=jnp.float32)
    return {
        "features": features,
        "edge_index": edge_index,
        "edge_types": edge_types,
        "edge_table": edge_table,
        "W_ih": W_ih,
        "W_hh": W_hh,
        "b_ih": b_ih,
        "b_hh": b_hh,
        "W_out": W_out,
        "b_out": b_out,
    }


def reference(features, edge_index, edge_types, edge_table, W_ih, W_hh, b_ih, b_hh, W_out, b_out):
    src = edge_index[0]
    dst = edge_index[1]
    # message: per-edge-type matrix A[e] (msg_dim x hidden_dim) applied to src hidden state
    A = jnp.take(edge_table, edge_types, axis=0).reshape(-1, MSG, HID)
    h_src = jnp.take(features, src, axis=0)
    msg = jnp.einsum("emh,eh->em", A, h_src)  # bmm(A, h_src.unsqueeze(2)).squeeze(2)
    # reduce: sum messages per destination node
    m = jax.ops.segment_sum(msg, dst, num_segments=N)
    # apply: single-step GRU (PyTorch nn.GRU gate math), input m, hidden features
    gi = m @ W_ih.T + b_ih
    gh = features @ W_hh.T + b_hh
    i_r, i_z, i_n = jnp.split(gi, 3, axis=1)
    h_r, h_z, h_n = jnp.split(gh, 3, axis=1)
    r = jax.nn.sigmoid(i_r + h_r)
    z = jax.nn.sigmoid(i_z + h_z)
    n = jnp.tanh(i_n + r * h_n)
    h_new = (1.0 - z) * n + z * features
    # readout
    return h_new @ W_out.T + b_out

if __name__ == "__main__":
    import jax
    _d = setup_inputs()
    print(jax.jit(kernel)(*tuple(_d.values())))

</pallas_src>

<mosaic_0001>
#map = affine_map<(d0, d1) -> (0, 0)>
#map1 = affine_map<(d0, d1) -> (0, 0, 0)>
module attributes {stable_mosaic.version = 14 : i64} {
  func.func @_edge_body(%arg0: i32, %arg1: i32, %arg2: memref<401408x16xf32, #tpu.memory_space<hbm>>, %arg3: memref<32x25088xi32, #tpu.memory_space<hbm>>, %arg4: memref<32x196x128xi32, #tpu.memory_space<hbm>>, %arg5: memref<2x51200x16xf32, #tpu.memory_space<hbm>>, %arg6: memref<2x1792xi32, #tpu.memory_space<vmem>>, %arg7: memref<2x14x128xi32, #tpu.memory_space<vmem>>, %arg8: memref<2x1792x16xf32, #tpu.memory_space<vmem>>, %arg9: memref<51200x16xf32, #tpu.memory_space<vmem_shared>>, %arg10: memref<!tpu.dma_semaphore, #tpu.memory_space<semaphore_mem>>, %arg11: memref<!tpu.dma_semaphore, #tpu.memory_space<semaphore_mem>>, %arg12: memref<!tpu.dma_semaphore, #tpu.memory_space<semaphore_mem>>) attributes {dimension_semantics = [#tpu.dimension_semantics<core_parallel>, #tpu.dimension_semantics<subcore_parallel>], iteration_bounds = array<i64: 2, 16>, scalar_prefetch = 0 : i64, scratch_operands = 7 : i64, tpu.core_type = #tpu.core_type<sc_vector_subcore>, window_params = [{transform_indices = #map}, {transform_indices = #map}, {transform_indices = #map1}, {transform_indices = #map1}]} {
    %mul3A = arith.constant 2 : i32
    %mul3A_0 = arith.muli %arg1, %mul3A : i32
    %add3A = arith.addi %mul3A_0, %arg0 : i32
    %scan3A = arith.constant 0 : i32
    %scan3A_1 = arith.constant 0 : i32
    %scan3A_2 = arith.constant 128 : i32
    %scan3A_3 = arith.addi %scan3A_1, %scan3A_2 : i32
    %scan3A_4 = arith.constant 8 : i32
    %scan3A_5 = scf.for %scan3A_503 = %scan3A_1 to %scan3A_3 step %scan3A_4 iter_args(%scan3A_504 = %scan3A) -> (i32)  : i32 {
      %broadcast_in_dim3A = arith.constant 0.000000e+00 : f32
      %broadcast_in_dim3A_505 = vector.broadcast %broadcast_in_dim3A : f32 to vector<16xf32>
      %swap3A = arith.constant 0 : i32
      %swap3A_506 = arith.index_cast %swap3A : i32 to index
      %swap3A_507 = arith.index_cast %scan3A_503 : i32 to index
      %swap3A_508 = arith.constant 0 : index
      %swap3A_509 = tpu.vector_load %arg8[%swap3A_506, %swap3A_507, %swap3A_508] {strides = array<i32>} : memref<2x1792x16xf32, #tpu.memory_space<vmem>>, vector<1x1x16xf32>,
      %swap3A_510 = vector.shape_cast %swap3A_509 : vector<1x1x16xf32> to vector<16xf32>
      %swap3A_511 = vector.shape_cast %broadcast_in_dim3A_505 : vector<16xf32> to vector<1x1x16xf32>
      tpu.vector_store %arg8[%swap3A_506, %swap3A_507, %swap3A_508], %swap3A_511 {strides = array<i32>} : memref<2x1792x16xf32, #tpu.memory_space<vmem>>, vector<1x1x16xf32>,
      %scan3A_512 = arith.constant 0 : i32
      %scan3A_513 = arith.constant 1 : i32
      %scan3A_514 = arith.addi %scan3A_503, %scan3A_513 : i32
      %broadcast_in_dim3A_515 = arith.constant 0.000000e+00 : f32
      %broadcast_in_dim3A_516 = vector.broadcast %broadcast_in_dim3A_515 : f32 to vector<16xf32>
      %swap3A_517 = arith.constant 0 : i32
      %swap3A_518 = arith.index_cast %swap3A_517 : i32 to index
      %swap3A_519 = arith.index_cast %scan3A_514 : i32 to index
      %swap3A_520 = arith.constant 0 : index
      %swap3A_521 = tpu.vector_load %arg8[%swap3A_518, %swap3A_519, %swap3A_520] {strides = array<i32>} : memref<2x1792x16xf32, #tpu.memory_space<vmem>>, vector<1x1x16xf32>,
      %swap3A_522 = vector.shape_cast %swap3A_521 : vector<1x1x16xf32> to vector<16xf32>
      %swap3A_523 = vector.shape_cast %broadcast_in_dim3A_516 : vector<16xf32> to vector<1x1x16xf32>
      tpu.vector_store %arg8[%swap3A_518, %swap3A_519, %swap3A_520], %swap3A_523 {strides = array<i32>} : memref<2x1792x16xf32, #tpu.memory_space<vmem>>, vector<1x1x16xf32>,
      %scan3A_524 = arith.constant 0 : i32
      %scan3A_525 = arith.constant 2 : i32
      %scan3A_526 = arith.addi %scan3A_503, %scan3A_525 : i32
      %broadcast_in_dim3A_527 = arith.constant 0.000000e+00 : f32
      %broadcast_in_dim3A_528 = vector.broadcast %broadcast_in_dim3A_527 : f32 to vector<16xf32>
      %swap3A_529 = arith.constant 0 : i32
      %swap3A_530 = arith.index_cast %swap3A_529 : i32 to index
      %swap3A_531 = arith.index_cast %scan3A_526 : i32 to index
      %swap3A_532 = arith.constant 0 : index
      %swap3A_533 = tpu.vector_load %arg8[%swap3A_530, %swap3A_531, %swap3A_532] {strides = array<i32>} : memref<2x1792x16xf32, #tpu.memory_space<vmem>>, vector<1x1x16xf32>,
      %swap3A_534 = vector.shape_cast %swap3A_533 : vector<1x1x16xf32> to vector<16xf32>
      %swap3A_535 = vector.shape_cast %broadcast_in_dim3A_528 : vector<16xf32> to vector<1x1x16xf32>
      tpu.vector_store %arg8[%swap3A_530, %swap3A_531, %swap3A_532], %swap3A_535 {strides = array<i32>} : memref<2x1792x16xf32, #tpu.memory_space<vmem>>, vector<1x1x16xf32>,
      %scan3A_536 = arith.constant 0 : i32
      %scan3A_537 = arith.constant 3 : i32
      %scan3A_538 = arith.addi %scan3A_503, %scan3A_537 : i32
      %broadcast_in_dim3A_539 = arith.constant 0.000000e+00 : f32
      %broadcast_in_dim3A_540 = vector.broadcast %broadcast_in_dim3A_539 : f32 to vector<16xf32>
      %swap3A_541 = arith.constant 0 : i32
      %swap3A_542 = arith.index_cast %swap3A_541 : i32 to index
      %swap3A_543 = arith.index_cast %scan3A_538 : i32 to index
      %swap3A_544 = arith.constant 0 : index
      %swap3A_545 = tpu.vector_load %arg8[%swap3A_542, %swap3A_543, %swap3A_544] {strides = array<i32>} : memref<2x1792x16xf32, #tpu.memory_space<vmem>>, vector<1x1x16xf32>,
      %swap3A_546 = vector.shape_cast %swap3A_545 : vector<1x1x16xf32> to vector<16xf32>
      %swap3A_547 = vector.shape_cast %broadcast_in_dim3A_540 : vector<16xf32> to vector<1x1x16xf32>
      tpu.vector_store %arg8[%swap3A_542, %swap3A_543, %swap3A_544], %swap3A_547 {strides = array<i32>} : memref<2x1792x16xf32, #tpu.memory_space<vmem>>, vector<1x1x16xf32>,
      %scan3A_548 = arith.constant 0 : i32
      %scan3A_549 = arith.constant 4 : i32
      %scan3A_550 = arith.addi %scan3A_503, %scan3A_549 : i32
      %broadcast_in_dim3A_551 = arith.constant 0.000000e+00 : f32
      %broadcast_in_dim3A_552 = vector.broadcast %broadcast_in_dim3A_551 : f32 to vector<16xf32>
      %swap3A_553 = arith.constant 0 : i32
      %swap3A_554 = arith.index_cast %swap3A_553 : i32 to index
      %swap3A_555 = arith.index_cast %scan3A_550 : i32 to index
      %swap3A_556 = arith.constant 0 : index
      %swap3A_557 = tpu.vector_load %arg8[%swap3A_554, %swap3A_555, %swap3A_556] {strides = array<i32>} : memref<2x1792x16xf32, #tpu.memory_space<vmem>>, vector<1x1x16xf32>,
      %swap3A_558 = vector.shape_cast %swap3A_557 : vector<1x1x16xf32> to vector<16xf32>
      %swap3A_559 = vector.shape_cast %broadcast_in_dim3A_552 : vector<16xf32> to vector<1x1x16xf32>
      tpu.vector_store %arg8[%swap3A_554, %swap3A_555, %swap3A_556], %swap3A_559 {strides = array<i32>} : memref<2x1792x16xf32, #tpu.memory_space<vmem>>, vector<1x1x16xf32>,
      %scan3A_560 = arith.constant 0 : i32
      %scan3A_561 = arith.constant 5 : i32
      %scan3A_562 = arith.addi %scan3A_503, %scan3A_561 : i32
      %broadcast_in_dim3A_563 = arith.constant 0.000000e+00 : f32
      %broadcast_in_dim3A_564 = vector.broadcast %broadcast_in_dim3A_563 : f32 to vector<16xf32>
      %swap3A_565 = arith.constant 0 : i32
      %swap3A_566 = arith.index_cast %swap3A_565 : i32 to index
      %swap3A_567 = arith.index_cast %scan3A_562 : i32 to index
      %swap3A_568 = arith.constant 0 : index
      %swap3A_569 = tpu.vector_load %arg8[%swap3A_566, %swap3A_567, %swap3A_568] {strides = array<i32>} : memref<2x1792x16xf32, #tpu.memory_space<vmem>>, vector<1x1x16xf32>,
      %swap3A_570 = vector.shape_cast %swap3A_569 : vector<1x1x16xf32> to vector<16xf32>
      %swap3A_571 = vector.shape_cast %broadcast_in_dim3A_564 : vector<16xf32> to vector<1x1x16xf32>
      tpu.vector_store %arg8[%swap3A_566, %swap3A_567, %swap3A_568], %swap3A_571 {strides = array<i32>} : memref<2x1792x16xf32, #tpu.memory_space<vmem>>, vector<1x1x16xf32>,
      %scan3A_572 = arith.constant 0 : i32
      %scan3A_573 = arith.constant 6 : i32
      %scan3A_574 = arith.addi %scan3A_503, %scan3A_573 : i32
      %broadcast_in_dim3A_575 = arith.constant 0.000000e+00 : f32
      %broadcast_in_dim3A_576 = vector.broadcast %broadcast_in_dim3A_575 : f32 to vector<16xf32>
      %swap3A_577 = arith.constant 0 : i32
      %swap3A_578 = arith.index_cast %swap3A_577 : i32 to index
      %swap3A_579 = arith.index_cast %scan3A_574 : i32 to index
      %swap3A_580 = arith.constant 0 : index
      %swap3A_581 = tpu.vector_load %arg8[%swap3A_578, %swap3A_579, %swap3A_580] {strides = array<i32>} : memref<2x1792x16xf32, #tpu.memory_space<vmem>>, vector<1x1x16xf32>,
      %swap3A_582 = vector.shape_cast %swap3A_581 : vector<1x1x16xf32> to vector<16xf32>
      %swap3A_583 = vector.shape_cast %broadcast_in_dim3A_576 : vector<16xf32> to vector<1x1x16xf32>
      tpu.vector_store %arg8[%swap3A_578, %swap3A_579, %swap3A_580], %swap3A_583 {strides = array<i32>} : memref<2x1792x16xf32, #tpu.memory_space<vmem>>, vector<1x1x16xf32>,
      %scan3A_584 = arith.constant 0 : i32
      %scan3A_585 = arith.constant 7 : i32
      %scan3A_586 = arith.addi %scan3A_503, %scan3A_585 : i32
      %broadcast_in_dim3A_587 = arith.constant 0.000000e+00 : f32
      %broadcast_in_dim3A_588 = vector.broadcast %broadcast_in_dim3A_587 : f32 to vector<16xf32>
      %swap3A_589 = arith.constant 0 : i32
      %swap3A_590 = arith.index_cast %swap3A_589 : i32 to index
      %swap3A_591 = arith.index_cast %scan3A_586 : i32 to index
      %swap3A_592 = arith.constant 0 : index
      %swap3A_593 = tpu.vector_load %arg8[%swap3A_590, %swap3A_591, %swap3A_592] {strides = array<i32>} : memref<2x1792x16xf32, #tpu.memory_space<vmem>>, vector<1x1x16xf32>,
      %swap3A_594 = vector.shape_cast %swap3A_593 : vector<1x1x16xf32> to vector<16xf32>
      %swap3A_595 = vector.shape_cast %broadcast_in_dim3A_588 : vector<16xf32> to vector<1x1x16xf32>
      tpu.vector_store %arg8[%swap3A_590, %swap3A_591, %swap3A_592], %swap3A_595 {strides = array<i32>} : memref<2x1792x16xf32, #tpu.memory_space<vmem>>, vector<1x1x16xf32>,
      %scan3A_596 = arith.constant 0 : i32
      scf.yield %scan3A_596 : i32
    }
    %scan3A_6 = arith.constant 128 : i32
    %scan3A_7 = arith.constant 0 : i32
    %scan3A_8 = arith.constant 0 : i32
    %scan3A_9 = arith.constant 0 : i32
    %scan3A_10 = arith.constant 25 : i32
    %scan3A_11 = arith.addi %scan3A_9, %scan3A_10 : i32
    %scan3A_12 = arith.constant 1 : i32
    %scan3A_13 = scf.for %scan3A_503 = %scan3A_9 to %scan3A_11 step %scan3A_12 iter_args(%scan3A_504 = %scan3A_8) -> (i32)  : i32 {
      %mul3A_505 = arith.constant 3200 : i32
      %mul3A_506 = arith.muli %arg1, %mul3A_505 : i32
      %mul3A_507 = arith.constant 128 : i32
      %mul3A_508 = arith.muli %scan3A_503, %mul3A_507 : i32
      %add3A_509 = arith.addi %mul3A_506, %mul3A_508 : i32
      "tpu.region"() ({
        %run_scoped3A = tpu.sem_alloc : memref<!tpu.dma_semaphore, #tpu.memory_space<semaphore_mem>>
        %dma_start3A_511 = arith.constant 0 : i32
        %dma_start3A_512 = arith.constant 0 : i32
        %dma_start3A_513 = tpu.memref_slice %arg8[%scan3A_7, %dma_start3A_511, %dma_start3A_512] : memref<2x1792x16xf32, #tpu.memory_space<vmem>> -> memref<1x128x16xf32, #tpu.memory_space<vmem>>
        %dma_start3A_514 = tpu.memref_squeeze %dma_start3A_513 : memref<1x128x16xf32, #tpu.memory_space<vmem>> -> memref<128x16xf32, #tpu.memory_space<vmem>>
        %dma_start3A_515 = arith.constant 0 : i32
        %dma_start3A_516 = tpu.memref_slice %arg9[%add3A_509, %dma_start3A_515] : memref<51200x16xf32, #tpu.memory_space<vmem_shared>> -> memref<128x16xf32, #tpu.memory_space<vmem_shared>>
        %dma_start3A_517 = arith.constant 0 : i32
        %dma_start3A_518 = tpu.memref_slice %arg9[%add3A_509, %dma_start3A_517] : memref<51200x16xf32, #tpu.memory_space<vmem_shared>> -> memref<128x16xf32, #tpu.memory_space<vmem_shared>>
        %dma_start3A_519 = arith.constant 0 : i32
        %dma_start3A_520 = arith.constant 0 : i32
        %dma_start3A_521 = tpu.memref_slice %arg8[%scan3A_7, %dma_start3A_519, %dma_start3A_520] : memref<2x1792x16xf32, #tpu.memory_space<vmem>> -> memref<1x128x16xf32, #tpu.memory_space<vmem>>
        %dma_start3A_522 = tpu.memref_squeeze %dma_start3A_521 : memref<1x128x16xf32, #tpu.memory_space<vmem>> -> memref<128x16xf32, #tpu.memory_space<vmem>>
        tpu.enqueue_dma source(%dma_start3A_522 : memref<128x16xf32, #tpu.memory_space<vmem>>) target(%dma_start3A_518 : memref<128x16xf32, #tpu.memory_space<vmem_shared>>) target_semaphore(%run_scoped3A : memref<!tpu.dma_semaphore, #tpu.memory_space<semaphore_mem>>)
        %dma_wait3A_523 = arith.constant 0 : i32
        %dma_wait3A_524 = arith.constant 0 : i32
        %dma_wait3A_525 = tpu.memref_slice %arg8[%scan3A_7, %dma_wait3A_523, %dma_wait3A_524] : memref<2x1792x16xf32, #tpu.memory_space<vmem>> -> memref<1x128x16xf32, #tpu.memory_space<vmem>>
        %dma_wait3A_526 = tpu.memref_squeeze %dma_wait3A_525 : memref<1x128x16xf32, #tpu.memory_space<vmem>> -> memref<128x16xf32, #tpu.memory_space<vmem>>
        %dma_wait3A_527 = arith.constant 0 : i32
        %dma_wait3A_528 = tpu.memref_slice %arg9[%add3A_509, %dma_wait3A_527] : memref<51200x16xf32, #tpu.memory_space<vmem_shared>> -> memref<128x16xf32, #tpu.memory_space<vmem_shared>>
        %dma_wait3A_529 = arith.constant 0 : i32
        %dma_wait3A_530 = tpu.memref_slice %arg9[%add3A_509, %dma_wait3A_529] : memref<51200x16xf32, #tpu.memory_space<vmem_shared>> -> memref<128x16xf32, #tpu.memory_space<vmem_shared>>
        %dma_wait3A_531 = arith.constant 0 : i32
        %dma_wait3A_532 = arith.constant 0 : i32
        %dma_wait3A_533 = tpu.memref_slice %arg8[%scan3A_7, %dma_wait3A_531, %dma_wait3A_532] : memref<2x1792x16xf32, #tpu.memory_space<vmem>> -> memref<1x128x16xf32, #tpu.memory_space<vmem>>
        %dma_wait3A_534 = tpu.memref_squeeze %dma_wait3A_533 : memref<1x128x16xf32, #tpu.memory_space<vmem>> -> memref<128x16xf32, #tpu.memory_space<vmem>>
        tpu.wait_dma2 semaphore(%run_scoped3A : memref<!tpu.dma_semaphore, #tpu.memory_space<semaphore_mem>>) src(%dma_wait3A_534 : memref<128x16xf32, #tpu.memory_space<vmem>>) dst(%dma_wait3A_530 : memref<128x16xf32, #tpu.memory_space<vmem_shared>>)
        tpu.yield
      }) : () -> ()
      %scan3A_510 = arith.constant 0 : i32
      scf.yield %scan3A_510 : i32
    }
    %scan3A_14 = arith.constant 25 : i32
    %dma_start3A = arith.constant 0 : i32
    %dma_start3A_15 = arith.constant 0 : i32
    %dma_start3A_16 = tpu.memref_slice %arg6[%dma_start3A, %dma_start3A_15] : memref<2x1792xi32, #tpu.memory_space<vmem>> -> memref<1x1792xi32, #tpu.memory_space<vmem>>
    %dma_start3A_17 = tpu.memref_squeeze %dma_start3A_16 : memref<1x1792xi32, #tpu.memory_space<vmem>> -> memref<1792xi32, #tpu.memory_space<vmem>>
    %dma_start3A_18 = arith.constant 0 : i32
    %dma_start3A_19 = tpu.memref_slice %arg3[%add3A, %dma_start3A_18] : memref<32x25088xi32, #tpu.memory_space<hbm>> -> memref<1x1792xi32, #tpu.memory_space<hbm>>
    %dma_start3A_20 = tpu.memref_squeeze %dma_start3A_19 : memref<1x1792xi32, #tpu.memory_space<hbm>> -> memref<1792xi32, #tpu.memory_space<hbm>>
    %dma_start3A_21 = arith.constant 0 : i32
    %dma_start3A_22 = tpu.memref_slice %arg6[%dma_start3A, %dma_start3A_21] : memref<2x1792xi32, #tpu.memory_space<vmem>> -> memref<1x1792xi32, #tpu.memory_space<vmem>>
    %dma_start3A_23 = tpu.memref_squeeze %dma_start3A_22 : memref<1x1792xi32, #tpu.memory_space<vmem>> -> memref<1792xi32, #tpu.memory_space<vmem>>
    %dma_start3A_24 = arith.constant 0 : i32
    %dma_start3A_25 = tpu.memref_slice %arg3[%add3A, %dma_start3A_24] : memref<32x25088xi32, #tpu.memory_space<hbm>> -> memref<1x1792xi32, #tpu.memory_space<hbm>>
    %dma_start3A_26 = tpu.memref_squeeze %dma_start3A_25 : memref<1x1792xi32, #tpu.memory_space<hbm>> -> memref<1792xi32, #tpu.memory_space<hbm>>
    tpu.enqueue_dma source(%dma_start3A_26 : memref<1792xi32, #tpu.memory_space<hbm>>) target(%dma_start3A_23 : memref<1792xi32, #tpu.memory_space<vmem>>) target_semaphore(%arg10 : memref<!tpu.dma_semaphore, #tpu.memory_space<semaphore_mem>>)
    %dma_start3A_27 = arith.constant 0 : i32
    %dma_start3A_28 = arith.constant 0 : i32
    %dma_start3A_29 = arith.constant 0 : i32
    %dma_start3A_30 = tpu.memref_slice %arg7[%dma_start3A_27, %dma_start3A_28, %dma_start3A_29] : memref<2x14x128xi32, #tpu.memory_space<vmem>> -> memref<1x14x128xi32, #tpu.memory_space<vmem>>
    %dma_start3A_31 = tpu.memref_squeeze %dma_start3A_30 : memref<1x14x128xi32, #tpu.memory_space<vmem>> -> memref<14x128xi32, #tpu.memory_space<vmem>>
    %dma_start3A_32 = arith.constant 0 : i32
    %dma_start3A_33 = arith.constant 0 : i32
    %dma_start3A_34 = tpu.memref_slice %arg4[%add3A, %dma_start3A_32, %dma_start3A_33] : memref<32x196x128xi32, #tpu.memory_space<hbm>> -> memref<1x14x128xi32, #tpu.memory_space<hbm>>
    %dma_start3A_35 = tpu.memref_squeeze %dma_start3A_34 : memref<1x14x128xi32, #tpu.memory_space<hbm>> -> memref<14x128xi32, #tpu.memory_space<hbm>>
    %dma_start3A_36 = arith.constant 0 : i32
    %dma_start3A_37 = arith.constant 0 : i32
    %dma_start3A_38 = tpu.memref_slice %arg7[%dma_start3A_27, %dma_start3A_36, %dma_start3A_37] : memref<2x14x128xi32, #tpu.memory_space<vmem>> -> memref<1x14x128xi32, #tpu.memory_space<vmem>>
    %dma_start3A_39 = tpu.memref_squeeze %dma_start3A_38 : memref<1x14x128xi32, #tpu.memory_space<vmem>> -> memref<14x128xi32, #tpu.memory_space<vmem>>
    %dma_start3A_40 = arith.constant 0 : i32
    %dma_start3A_41 = arith.constant 0 : i32
    %dma_start3A_42 = tpu.memref_slice %arg4[%add3A, %dma_start3A_40, %dma_start3A_41] : memref<32x196x128xi32, #tpu.memory_space<hbm>> -> memref<1x14x128xi32, #tpu.memory_space<hbm>>
    %dma_start3A_43 = tpu.memref_squeeze %dma_start3A_42 : memref<1x14x128xi32, #tpu.memory_space<hbm>> -> memref<14x128xi32, #tpu.memory_space<hbm>>
    tpu.enqueue_dma source(%dma_start3A_43 : memref<14x128xi32, #tpu.memory_space<hbm>>) target(%dma_start3A_39 : memref<14x128xi32, #tpu.memory_space<vmem>>) target_semaphore(%arg10 : memref<!tpu.dma_semaphore, #tpu.memory_space<semaphore_mem>>)
    %barrier3A = arith.constant 0 : index
    tpu.barrier barrier_id(%barrier3A)
    %dma_wait3A = arith.constant 0 : i32
    %dma_wait3A_44 = arith.constant 0 : i32
    %dma_wait3A_45 = arith.constant 0 : i32
    %dma_wait3A_46 = tpu.memref_slice %arg6[%dma_wait3A_44, %dma_wait3A_45] : memref<2x1792xi32, #tpu.memory_space<vmem>> -> memref<1x1792xi32, #tpu.memory_space<vmem>>
    %dma_wait3A_47 = tpu.memref_squeeze %dma_wait3A_46 : memref<1x1792xi32, #tpu.memory_space<vmem>> -> memref<1792xi32, #tpu.memory_space<vmem>>
    %dma_wait3A_48 = arith.constant 0 : i32
    %dma_wait3A_49 = tpu.memref_slice %arg3[%dma_wait3A, %dma_wait3A_48] : memref<32x25088xi32, #tpu.memory_space<hbm>> -> memref<1x1792xi32, #tpu.memory_space<hbm>>
    %dma_wait3A_50 = tpu.memref_squeeze %dma_wait3A_49 : memref<1x1792xi32, #tpu.memory_space<hbm>> -> memref<1792xi32, #tpu.memory_space<hbm>>
    %dma_wait3A_51 = arith.constant 0 : i32
    %dma_wait3A_52 = tpu.memref_slice %arg6[%dma_wait3A_44, %dma_wait3A_51] : memref<2x1792xi32, #tpu.memory_space<vmem>> -> memref<1x1792xi32, #tpu.memory_space<vmem>>
    %dma_wait3A_53 = tpu.memref_squeeze %dma_wait3A_52 : memref<1x1792xi32, #tpu.memory_space<vmem>> -> memref<1792xi32, #tpu.memory_space<vmem>>
    %dma_wait3A_54 = arith.constant 0 : i32
    %dma_wait3A_55 = tpu.memref_slice %arg3[%dma_wait3A, %dma_wait3A_54] : memref<32x25088xi32, #tpu.memory_space<hbm>> -> memref<1x1792xi32, #tpu.memory_space<hbm>>
    %dma_wait3A_56 = tpu.memref_squeeze %dma_wait3A_55 : memref<1x1792xi32, #tpu.memory_space<hbm>> -> memref<1792xi32, #tpu.memory_space<hbm>>
    tpu.wait_dma2 semaphore(%arg10 : memref<!tpu.dma_semaphore, #tpu.memory_space<semaphore_mem>>) src(%dma_wait3A_56 : memref<1792xi32, #tpu.memory_space<hbm>>) dst(%dma_wait3A_53 : memref<1792xi32, #tpu.memory_space<vmem>>)
    %dma_wait3A_57 = arith.constant 0 : i32
    %dma_wait3A_58 = arith.constant 0 : i32
    %dma_wait3A_59 = arith.constant 0 : i32
    %dma_wait3A_60 = arith.constant 0 : i32
    %dma_wait3A_61 = tpu.memref_slice %arg7[%dma_wait3A_58, %dma_wait3A_59, %dma_wait3A_60] : memref<2x14x128xi32, #tpu.memory_space<vmem>> -> memref<1x14x128xi32, #tpu.memory_space<vmem>>
    %dma_wait3A_62 = tpu.memref_squeeze %dma_wait3A_61 : memref<1x14x128xi32, #tpu.memory_space<vmem>> -> memref<14x128xi32, #tpu.memory_space<vmem>>
    %dma_wait3A_63 = arith.constant 0 : i32
    %dma_wait3A_64 = arith.constant 0 : i32
    %dma_wait3A_65 = tpu.memref_slice %arg4[%dma_wait3A_57, %dma_wait3A_63, %dma_wait3A_64] : memref<32x196x128xi32, #tpu.memory_space<hbm>> -> memref<1x14x128xi32, #tpu.memory_space<hbm>>
    %dma_wait3A_66 = tpu.memref_squeeze %dma_wait3A_65 : memref<1x14x128xi32, #tpu.memory_space<hbm>> -> memref<14x128xi32, #tpu.memory_space<hbm>>
    %dma_wait3A_67 = arith.constant 0 : i32
    %dma_wait3A_68 = arith.constant 0 : i32
    %dma_wait3A_69 = tpu.memref_slice %arg7[%dma_wait3A_58, %dma_wait3A_67, %dma_wait3A_68] : memref<2x14x128xi32, #tpu.memory_space<vmem>> -> memref<1x14x128xi32, #tpu.memory_space<vmem>>
    %dma_wait3A_70 = tpu.memref_squeeze %dma_wait3A_69 : memref<1x14x128xi32, #tpu.memory_space<vmem>> -> memref<14x128xi32, #tpu.memory_space<vmem>>
    %dma_wait3A_71 = arith.constant 0 : i32
    %dma_wait3A_72 = arith.constant 0 : i32
    %dma_wait3A_73 = tpu.memref_slice %arg4[%dma_wait3A_57, %dma_wait3A_71, %dma_wait3A_72] : memref<32x196x128xi32, #tpu.memory_space<hbm>> -> memref<1x14x128xi32, #tpu.memory_space<hbm>>
    %dma_wait3A_74 = tpu.memref_squeeze %dma_wait3A_73 : memref<1x14x128xi32, #tpu.memory_space<hbm>> -> memref<14x128xi32, #tpu.memory_space<hbm>>
    tpu.wait_dma2 semaphore(%arg10 : memref<!tpu.dma_semaphore, #tpu.memory_space<semaphore_mem>>) src(%dma_wait3A_74 : memref<14x128xi32, #tpu.memory_space<hbm>>) dst(%dma_wait3A_70 : memref<14x128xi32, #tpu.memory_space<vmem>>)
    %dma_start3A_75 = arith.constant 0 : i32
    %dma_start3A_76 = arith.constant 0 : i32
    %dma_start3A_77 = arith.constant 0 : i32
    %dma_start3A_78 = arith.constant 0 : i32
    %dma_start3A_79 = tpu.memref_slice %arg8[%dma_start3A_76, %dma_start3A_77, %dma_start3A_78] : memref<2x1792x16xf32, #tpu.memory_space<vmem>> -> memref<1x1792x16xf32, #tpu.memory_space<vmem>>
    %dma_start3A_80 = tpu.memref_squeeze %dma_start3A_79 : memref<1x1792x16xf32, #tpu.memory_space<vmem>> -> memref<1792x16xf32, #tpu.memory_space<vmem>>
    %dma_start3A_81 = arith.constant 0 : i32
    %dma_start3A_82 = tpu.memref_slice %arg6[%dma_start3A_75, %dma_start3A_81] : memref<2x1792xi32, #tpu.memory_space<vmem>> -> memref<1x1792xi32, #tpu.memory_space<vmem>>
    %dma_start3A_83 = tpu.memref_squeeze %dma_start3A_82 : memref<1x1792xi32, #tpu.memory_space<vmem>> -> memref<1792xi32, #tpu.memory_space<vmem>>
    %dma_start3A_84 = arith.constant 0 : i32
    %dma_start3A_85 = arith.constant 0 : i32
    %dma_start3A_86 = tpu.memref_slice %arg2[%dma_start3A_84, %dma_start3A_85] : memref<401408x16xf32, #tpu.memory_space<hbm>> -> memref<401408x16xf32, #tpu.memory_space<hbm>>
    tpu.enqueue_indirect_dma source(%dma_start3A_86 : memref<401408x16xf32, #tpu.memory_space<hbm>>) target(%dma_start3A_80 : memref<1792x16xf32, #tpu.memory_space<vmem>>) offsets(%dma_start3A_83 : memref<1792xi32, #tpu.memory_space<vmem>>) semaphore(%arg11 : memref<!tpu.dma_semaphore, #tpu.memory_space<semaphore_mem>>)
    %dma_start3A_87 = arith.constant 1 : i32
    %dma_start3A_88 = arith.constant 0 : i32
    %dma_start3A_89 = tpu.memref_slice %arg6[%dma_start3A_87, %dma_start3A_88] : memref<2x1792xi32, #tpu.memory_space<vmem>> -> memref<1x1792xi32, #tpu.memory_space<vmem>>
    %dma_start3A_90 = tpu.memref_squeeze %dma_start3A_89 : memref<1x1792xi32, #tpu.memory_space<vmem>> -> memref<1792xi32, #tpu.memory_space<vmem>>
    %dma_start3A_91 = arith.constant 1792 : i32
    %dma_start3A_92 = tpu.memref_slice %arg3[%add3A, %dma_start3A_91] : memref<32x25088xi32, #tpu.memory_space<hbm>> -> memref<1x1792xi32, #tpu.memory_space<hbm>>
    %dma_start3A_93 = tpu.memref_squeeze %dma_start3A_92 : memref<1x1792xi32, #tpu.memory_space<hbm>> -> memref<1792xi32, #tpu.memory_space<hbm>>
    %dma_start3A_94 = arith.constant 0 : i32
    %dma_start3A_95 = tpu.memref_slice %arg6[%dma_start3A_87, %dma_start3A_94] : memref<2x1792xi32, #tpu.memory_space<vmem>> -> memref<1x1792xi32, #tpu.memory_space<vmem>>
    %dma_start3A_96 = tpu.memref_squeeze %dma_start3A_95 : memref<1x1792xi32, #tpu.memory_space<vmem>> -> memref<1792xi32, #tpu.memory_space<vmem>>
    %dma_start3A_97 = arith.constant 1792 : i32
    %dma_start3A_98 = tpu.memref_slice %arg3[%add3A, %dma_start3A_97] : memref<32x25088xi32, #tpu.memory_space<hbm>> -> memref<1x1792xi32, #tpu.memory_space<hbm>>
    %dma_start3A_99 = tpu.memref_squeeze %dma_start3A_98 : memref<1x1792xi32, #tpu.memory_space<hbm>> -> memref<1792xi32, #tpu.memory_space<hbm>>
    tpu.enqueue_dma source(%dma_start3A_99 : memref<1792xi32, #tpu.memory_space<hbm>>) target(%dma_start3A_96 : memref<1792xi32, #tpu.memory_space<vmem>>) target_semaphore(%arg10 : memref<!tpu.dma_semaphore, #tpu.memory_space<semaphore_mem>>)
    %dma_start3A_100 = arith.constant 1 : i32
    %dma_start3A_101 = arith.constant 0 : i32
    %dma_start3A_102 = arith.constant 0 : i32
    %dma_start3A_103 = tpu.memref_slice %arg7[%dma_start3A_100, %dma_start3A_101, %dma_start3A_102] : memref<2x14x128xi32, #tpu.memory_space<vmem>> -> memref<1x14x128xi32, #tpu.memory_space<vmem>>
    %dma_start3A_104 = tpu.memref_squeeze %dma_start3A_103 : memref<1x14x128xi32, #tpu.memory_space<vmem>> -> memref<14x128xi32, #tpu.memory_space<vmem>>
    %dma_start3A_105 = arith.constant 14 : i32
    %dma_start3A_106 = arith.constant 0 : i32
    %dma_start3A_107 = tpu.memref_slice %arg4[%add3A, %dma_start3A_105, %dma_start3A_106] : memref<32x196x128xi32, #tpu.memory_space<hbm>> -> memref<1x14x128xi32, #tpu.memory_space<hbm>>
    %dma_start3A_108 = tpu.memref_squeeze %dma_start3A_107 : memref<1x14x128xi32, #tpu.memory_space<hbm>> -> memref<14x128xi32, #tpu.memory_space<hbm>>
    %dma_start3A_109 = arith.constant 0 : i32
    %dma_start3A_110 = arith.constant 0 : i32
    %dma_start3A_111 = tpu.memref_slice %arg7[%dma_start3A_100, %dma_start3A_109, %dma_start3A_110] : memref<2x14x128xi32, #tpu.memory_space<vmem>> -> memref<1x14x128xi32, #tpu.memory_space<vmem>>
    %dma_start3A_112 = tpu.memref_squeeze %dma_start3A_111 : memref<1x14x128xi32, #tpu.memory_space<vmem>> -> memref<14x128xi32, #tpu.memory_space<vmem>>
    %dma_start3A_113 = arith.constant 14 : i32
    %dma_start3A_114 = arith.constant 0 : i32
    %dma_start3A_115 = tpu.memref_slice %arg4[%add3A, %dma_start3A_113, %dma_start3A_114] : memref<32x196x128xi32, #tpu.memory_space<hbm>> -> memref<1x14x128xi32, #tpu.memory_space<hbm>>
    %dma_start3A_116 = tpu.memref_squeeze %dma_start3A_115 : memref<1x14x128xi32, #tpu.memory_space<hbm>> -> memref<14x128xi32, #tpu.memory_space<hbm>>
    tpu.enqueue_dma source(%dma_start3A_116 : memref<14x128xi32, #tpu.memory_space<hbm>>) target(%dma_start3A_112 : memref<14x128xi32, #tpu.memory_space<vmem>>) target_semaphore(%arg10 : memref<!tpu.dma_semaphore, #tpu.memory_space<semaphore_mem>>)
    %scan3A_117 = arith.constant 0 : i32
    %scan3A_118 = arith.constant 1 : i32
    %scan3A_119 = arith.constant 13 : i32
    %scan3A_120 = arith.addi %scan3A_118, %scan3A_119 : i32
    %scan3A_121 = arith.constant 1 : i32
    %scan3A_122 = scf.for %scan3A_503 = %scan3A_118 to %scan3A_120 step %scan3A_121 iter_args(%scan3A_504 = %scan3A_117) -> (i32)  : i32 {
      %rem3A = arith.constant 2 : i32
      %rem3A_505 = arith.remsi %scan3A_503, %rem3A : i32
      %dma_wait3A_506 = arith.constant 0 : i32
      %dma_wait3A_507 = arith.constant 0 : i32
      %dma_wait3A_508 = tpu.memref_slice %arg6[%rem3A_505, %dma_wait3A_507] : memref<2x1792xi32, #tpu.memory_space<vmem>> -> memref<1x1792xi32, #tpu.memory_space<vmem>>
      %dma_wait3A_509 = tpu.memref_squeeze %dma_wait3A_508 : memref<1x1792xi32, #tpu.memory_space<vmem>> -> memref<1792xi32, #tpu.memory_space<vmem>>
      %dma_wait3A_510 = arith.constant 0 : i32
      %dma_wait3A_511 = tpu.memref_slice %arg3[%dma_wait3A_506, %dma_wait3A_510] : memref<32x25088xi32, #tpu.memory_space<hbm>> -> memref<1x1792xi32, #tpu.memory_space<hbm>>
      %dma_wait3A_512 = tpu.memref_squeeze %dma_wait3A_511 : memref<1x1792xi32, #tpu.memory_space<hbm>> -> memref<1792xi32, #tpu.memory_space<hbm>>
      %dma_wait3A_513 = arith.constant 0 : i32
      %dma_wait3A_514 = tpu.memref_slice %arg6[%rem3A_505, %dma_wait3A_513] : memref<2x1792xi32, #tpu.memory_space<vmem>> -> memref<1x1792xi32, #tpu.memory_space<vmem>>
      %dma_wait3A_515 = tpu.memref_squeeze %dma_wait3A_514 : memref<1x1792xi32, #tpu.memory_space<vmem>> -> memref<1792xi32, #tpu.memory_space<vmem>>
      %dma_wait3A_516 = arith.constant 0 : i32
      %dma_wait3A_517 = tpu.memref_slice %arg3[%dma_wait3A_506, %dma_wait3A_516] : memref<32x25088xi32, #tpu.memory_space<hbm>> -> memref<1x1792xi32, #tpu.memory_space<hbm>>
      %dma_wait3A_518 = tpu.memref_squeeze %dma_wait3A_517 : memref<1x1792xi32, #tpu.memory_space<hbm>> -> memref<1792xi32, #tpu.memory_space<hbm>>
      tpu.wait_dma2 semaphore(%arg10 : memref<!tpu.dma_semaphore, #tpu.memory_space<semaphore_mem>>) src(%dma_wait3A_518 : memref<1792xi32, #tpu.memory_space<hbm>>) dst(%dma_wait3A_515 : memref<1792xi32, #tpu.memory_space<vmem>>)
      %dma_wait3A_519 = arith.constant 0 : i32
      %dma_wait3A_520 = arith.constant 0 : i32
      %dma_wait3A_521 = arith.constant 0 : i32
      %dma_wait3A_522 = tpu.memref_slice %arg7[%rem3A_505, %dma_wait3A_520, %dma_wait3A_521] : memref<2x14x128xi32, #tpu.memory_space<vmem>> -> memref<1x14x128xi32, #tpu.memory_space<vmem>>
      %dma_wait3A_523 = tpu.memref_squeeze %dma_wait3A_522 : memref<1x14x128xi32, #tpu.memory_space<vmem>> -> memref<14x128xi32, #tpu.memory_space<vmem>>
      %dma_wait3A_524 = arith.constant 0 : i32
      %dma_wait3A_525 = arith.constant 0 : i32
      %dma_wait3A_526 = tpu.memref_slice %arg4[%dma_wait3A_519, %dma_wait3A_524, %dma_wait3A_525] : memref<32x196x128xi32, #tpu.memory_space<hbm>> -> memref<1x14x128xi32, #tpu.memory_space<hbm>>
      %dma_wait3A_527 = tpu.memref_squeeze %dma_wait3A_526 : memref<1x14x128xi32, #tpu.memory_space<hbm>> -> memref<14x128xi32, #tpu.memory_space<hbm>>
      %dma_wait3A_528 = arith.constant 0 : i32
      %dma_wait3A_529 = arith.constant 0 : i32
      %dma_wait3A_530 = tpu.memref_slice %arg7[%rem3A_505, %dma_wait3A_528, %dma_wait3A_529] : memref<2x14x128xi32, #tpu.memory_space<vmem>> -> memref<1x14x128xi32, #tpu.memory_space<vmem>>
      %dma_wait3A_531 = tpu.memref_squeeze %dma_wait3A_530 : memref<1x14x128xi32, #tpu.memory_space<vmem>> -> memref<14x128xi32, #tpu.memory_space<vmem>>
      %dma_wait3A_532 = arith.constant 0 : i32
      %dma_wait3A_533 = arith.constant 0 : i32
      %dma_wait3A_534 = tpu.memref_slice %arg4[%dma_wait3A_519, %dma_wait3A_532, %dma_wait3A_533] : memref<32x196x128xi32, #tpu.memory_space<hbm>> -> memref<1x14x128xi32, #tpu.memory_space<hbm>>
      %dma_wait3A_535 = tpu.memref_squeeze %dma_wait3A_534 : memref<1x14x128xi32, #tpu.memory_space<hbm>> -> memref<14x128xi32, #tpu.memory_space<hbm>>
      tpu.wait_dma2 semaphore(%arg10 : memref<!tpu.dma_semaphore, #tpu.memory_space<semaphore_mem>>) src(%dma_wait3A_535 : memref<14x128xi32, #tpu.memory_space<hbm>>) dst(%dma_wait3A_531 : memref<14x128xi32, #tpu.memory_space<vmem>>)
      %sub3A = arith.constant 1 : i32
      %sub3A_536 = arith.subi %sub3A, %rem3A_505 : i32
      %dma_wait3A_537 = arith.constant 0 : i32
      %dma_wait3A_538 = arith.constant 0 : i32
      %dma_wait3A_539 = tpu.memref_slice %arg8[%sub3A_536, %dma_wait3A_537, %dma_wait3A_538] : memref<2x1792x16xf32, #tpu.memory_space<vmem>> -> memref<1x1792x16xf32, #tpu.memory_space<vmem>>
      %dma_wait3A_540 = tpu.memref_squeeze %dma_wait3A_539 : memref<1x1792x16xf32, #tpu.memory_space<vmem>> -> memref<1792x16xf32, #tpu.memory_space<vmem>>
      %dma_wait3A_541 = arith.constant 0 : i32
      %dma_wait3A_542 = tpu.memref_slice %arg6[%sub3A_536, %dma_wait3A_541] : memref<2x1792xi32, #tpu.memory_space<vmem>> -> memref<1x1792xi32, #tpu.memory_space<vmem>>
      %dma_wait3A_543 = tpu.memref_squeeze %dma_wait3A_542 : memref<1x1792xi32, #tpu.memory_space<vmem>> -> memref<1792xi32, #tpu.memory_space<vmem>>
      %dma_wait3A_544 = arith.constant 0 : i32
      %dma_wait3A_545 = arith.constant 0 : i32
      %dma_wait3A_546 = tpu.memref_slice %arg2[%dma_wait3A_544, %dma_wait3A_545] : memref<401408x16xf32, #tpu.memory_space<hbm>> -> memref<401408x16xf32, #tpu.memory_space<hbm>>
      tpu.wait_indirect_dma semaphore(%arg11 : memref<!tpu.dma_semaphore, #tpu.memory_space<semaphore_mem>>) src(%dma_wait3A_546 : memref<401408x16xf32, #tpu.memory_space<hbm>>) dst(%dma_wait3A_540 : memref<1792x16xf32, #tpu.memory_space<vmem>>)
      %dma_start3A_547 = arith.constant 0 : i32
      %dma_start3A_548 = arith.constant 0 : i32
      %dma_start3A_549 = tpu.memref_slice %arg8[%rem3A_505, %dma_start3A_547, %dma_start3A_548] : memref<2x1792x16xf32, #tpu.memory_space<vmem>> -> memref<1x1792x16xf32, #tpu.memory_space<vmem>>
      %dma_start3A_550 = tpu.memref_squeeze %dma_start3A_549 : memref<1x1792x16xf32, #tpu.memory_space<vmem>> -> memref<1792x16xf32, #tpu.memory_space<vmem>>
      %dma_start3A_551 = arith.constant 0 : i32
      %dma_start3A_552 = tpu.memref_slice %arg6[%rem3A_505, %dma_start3A_551] : memref<2x1792xi32, #tpu.memory_space<vmem>> -> memref<1x1792xi32, #tpu.memory_space<vmem>>
      %dma_start3A_553 = tpu.memref_squeeze %dma_start3A_552 : memref<1x1792xi32, #tpu.memory_space<vmem>> -> memref<1792xi32, #tpu.memory_space<vmem>>
      %dma_start3A_554 = arith.constant 0 : i32
      %dma_start3A_555 = arith.constant 0 : i32
      %dma_start3A_556 = tpu.memref_slice %arg2[%dma_start3A_554, %dma_start3A_555] : memref<401408x16xf32, #tpu.memory_space<hbm>> -> memref<401408x16xf32, #tpu.memory_space<hbm>>
      tpu.enqueue_indirect_dma source(%dma_start3A_556 : memref<401408x16xf32, #tpu.memory_space<hbm>>) target(%dma_start3A_550 : memref<1792x16xf32, #tpu.memory_space<vmem>>) offsets(%dma_start3A_553 : memref<1792xi32, #tpu.memory_space<vmem>>) semaphore(%arg11 : memref<!tpu.dma_semaphore, #tpu.memory_space<semaphore_mem>>)
      %sub3A_557 = arith.constant 1 : i32
      %sub3A_558 = arith.subi %sub3A_557, %rem3A_505 : i32
      %dma_start3A_559 = arith.constant 0 : i32
      %dma_start3A_560 = arith.constant 0 : i32
      %dma_start3A_561 = arith.constant 0 : i32
      %dma_start3A_562 = tpu.memref_slice %arg8[%sub3A_558, %dma_start3A_560, %dma_start3A_561] : memref<2x1792x16xf32, #tpu.memory_space<vmem>> -> memref<1x128x16xf32, #tpu.memory_space<vmem>>
      %dma_start3A_563 = tpu.memref_squeeze %dma_start3A_562 : memref<1x128x16xf32, #tpu.memory_space<vmem>> -> memref<128x16xf32, #tpu.memory_space<vmem>>
      %dma_start3A_564 = arith.constant 0 : i32
      %dma_start3A_565 = tpu.memref_slice %arg7[%sub3A_558, %dma_start3A_559, %dma_start3A_564] : memref<2x14x128xi32, #tpu.memory_space<vmem>> -> memref<1x1x128xi32, #tpu.memory_space<vmem>>
      %dma_start3A_566 = tpu.memref_squeeze %dma_start3A_565 : memref<1x1x128xi32, #tpu.memory_space<vmem>> -> memref<128xi32, #tpu.memory_space<vmem>>
      %dma_start3A_567 = arith.constant 0 : i32
      %dma_start3A_568 = arith.constant 0 : i32
      %dma_start3A_569 = tpu.memref_slice %arg9[%dma_start3A_567, %dma_start3A_568] : memref<51200x16xf32, #tpu.memory_space<vmem_shared>> -> memref<51200x16xf32, #tpu.memory_space<vmem_shared>>
      tpu.enqueue_indirect_dma source(%dma_start3A_563 : memref<128x16xf32, #tpu.memory_space<vmem>>) target(%dma_start3A_569 : memref<51200x16xf32, #tpu.memory_space<vmem_shared>>) offsets(%dma_start3A_566 : memref<128xi32, #tpu.memory_space<vmem>>) semaphore(%arg12 : memref<!tpu.dma_semaphore, #tpu.memory_space<semaphore_mem>>) {add = true}
      %dma_start3A_570 = arith.constant 1 : i32
      %dma_start3A_571 = arith.constant 128 : i32
      %dma_start3A_572 = arith.constant 0 : i32
      %dma_start3A_573 = tpu.memref_slice %arg8[%sub3A_558, %dma_start3A_571, %dma_start3A_572] : memref<2x1792x16xf32, #tpu.memory_space<vmem>> -> memref<1x128x16xf32, #tpu.memory_space<vmem>>
      %dma_start3A_574 = tpu.memref_squeeze %dma_start3A_573 : memref<1x128x16xf32, #tpu.memory_space<vmem>> -> memref<128x16xf32, #tpu.memory_space<vmem>>
      %dma_start3A_575 = arith.constant 0 : i32
      %dma_start3A_576 = tpu.memref_slice %arg7[%sub3A_558, %dma_start3A_570, %dma_start3A_575] : memref<2x14x128xi32, #tpu.memory_space<vmem>> -> memref<1x1x128xi32, #tpu.memory_space<vmem>>
      %dma_start3A_577 = tpu.memref_squeeze %dma_start3A_576 : memref<1x1x128xi32, #tpu.memory_space<vmem>> -> memref<128xi32, #tpu.memory_space<vmem>>
      %dma_start3A_578 = arith.constant 0 : i32
      %dma_start3A_579 = arith.constant 0 : i32
      %dma_start3A_580 = tpu.memref_slice %arg9[%dma_start3A_578, %dma_start3A_579] : memref<51200x16xf32, #tpu.memory_space<vmem_shared>> -> memref<51200x16xf32, #tpu.memory_space<vmem_shared>>
      tpu.enqueue_indirect_dma source(%dma_start3A_574 : memref<128x16xf32, #tpu.memory_space<vmem>>) target(%dma_start3A_580 : memref<51200x16xf32, #tpu.memory_space<vmem_shared>>) offsets(%dma_start3A_577 : memref<128xi32, #tpu.memory_space<vmem>>) semaphore(%arg12 : memref<!tpu.dma_semaphore, #tpu.memory_space<semaphore_mem>>) {add = true}
      %dma_start3A_581 = arith.constant 2 : i32
      %dma_start3A_582 = arith.constant 256 : i32
      %dma_start3A_583 = arith.constant 0 : i32
      %dma_start3A_584 = tpu.memref_slice %arg8[%sub3A_558, %dma_start3A_582, %dma_start3A_583] : memref<2x1792x16xf32, #tpu.memory_space<vmem>> -> memref<1x128x16xf32, #tpu.memory_space<vmem>>
      %dma_start3A_585 = tpu.memref_squeeze %dma_start3A_584 : memref<1x128x16xf32, #tpu.memory_space<vmem>> -> memref<128x16xf32, #tpu.memory_space<vmem>>
      %dma_start3A_586 = arith.constant 0 : i32
      %dma_start3A_587 = tpu.memref_slice %arg7[%sub3A_558, %dma_start3A_581, %dma_start3A_586] : memref<2x14x128xi32, #tpu.memory_space<vmem>> -> memref<1x1x128xi32, #tpu.memory_space<vmem>>
      %dma_start3A_588 = tpu.memref_squeeze %dma_start3A_587 : memref<1x1x128xi32, #tpu.memory_space<vmem>> -> memref<128xi32, #tpu.memory_space<vmem>>
      %dma_start3A_589 = arith.constant 0 : i32
      %dma_start3A_590 = arith.constant 0 : i32
      %dma_start3A_591 = tpu.memref_slice %arg9[%dma_start3A_589, %dma_start3A_590] : memref<51200x16xf32, #tpu.memory_space<vmem_shared>> -> memref<51200x16xf32, #tpu.memory_space<vmem_shared>>
      tpu.enqueue_indirect_dma source(%dma_start3A_585 : memref<128x16xf32, #tpu.memory_space<vmem>>) target(%dma_start3A_591 : memref<51200x16xf32, #tpu.memory_space<vmem_shared>>) offsets(%dma_start3A_588 : memref<128xi32, #tpu.memory_space<vmem>>) semaphore(%arg12 : memref<!tpu.dma_semaphore, #tpu.memory_space<semaphore_mem>>) {add = true}
      %dma_start3A_592 = arith.constant 3 : i32
      %dma_start3A_593 = arith.constant 384 : i32
      %dma_start3A_594 = arith.constant 0 : i32
      %dma_start3A_595 = tpu.memref_slice %arg8[%sub3A_558, %dma_start3A_593, %dma_start3A_594] : memref<2x1792x16xf32, #tpu.memory_space<vmem>> -> memref<1x128x16xf32, #tpu.memory_space<vmem>>
      %dma_start3A_596 = tpu.memref_squeeze %dma_start3A_595 : memref<1x128x16xf32, #tpu.memory_space<vmem>> -> memref<128x16xf32, #tpu.memory_space<vmem>>
      %dma_start3A_597 = arith.constant 0 : i32
      %dma_start3A_598 = tpu.memref_slice %arg7[%sub3A_558, %dma_start3A_592, %dma_start3A_597] : memref<2x14x128xi32, #tpu.memory_space<vmem>> -> memref<1x1x128xi32, #tpu.memory_space<vmem>>
      %dma_start3A_599 = tpu.memref_squeeze %dma_start3A_598 : memref<1x1x128xi32, #tpu.memory_space<vmem>> -> memref<128xi32, #tpu.memory_space<vmem>>
      %dma_start3A_600 = arith.constant 0 : i32
      %dma_start3A_601 = arith.constant 0 : i32
      %dma_start3A_602 = tpu.memref_slice %arg9[%dma_start3A_600, %dma_start3A_601] : memref<51200x16xf32, #tpu.memory_space<vmem_shared>> -> memref<51200x16xf32, #tpu.memory_space<vmem_shared>>
      tpu.enqueue_indirect_dma source(%dma_start3A_596 : memref<128x16xf32, #tpu.memory_space<vmem>>) target(%dma_start3A_602 : memref<51200x16xf32, #tpu.memory_space<vmem_shared>>) offsets(%dma_start3A_599 : memref<128xi32, #tpu.memory_space<vmem>>) semaphore(%arg12 : memref<!tpu.dma_semaphore, #tpu.memory_space<semaphore_mem>>) {add = true}
      %dma_start3A_603 = arith.constant 4 : i32
      %dma_start3A_604 = arith.constant 512 : i32
      %dma_start3A_605 = arith.constant 0 : i32
      %dma_start3A_606 = tpu.memref_slice %arg8[%sub3A_558, %dma_start3A_604, %dma_start3A_605] : memref<2x1792x16xf32, #tpu.memory_space<vmem>> -> memref<1x128x16xf32, #tpu.memory_space<vmem>>
      %dma_start3A_607 = tpu.memref_squeeze %dma_start3A_606 : memref<1x128x16xf32, #tpu.memory_space<vmem>> -> memref<128x16xf32, #tpu.memory_space<vmem>>
      %dma_start3A_608 = arith.constant 0 : i32
      %dma_start3A_609 = tpu.memref_slice %arg7[%sub3A_558, %dma_start3A_603, %dma_start3A_608] : memref<2x14x128xi32, #tpu.memory_space<vmem>> -> memref<1x1x128xi32, #tpu.memory_space<vmem>>
      %dma_start3A_610 = tpu.memref_squeeze %dma_start3A_609 : memref<1x1x128xi32, #tpu.memory_space<vmem>> -> memref<128xi32, #tpu.memory_space<vmem>>
      %dma_start3A_611 = arith.constant 0 : i32
      %dma_start3A_612 = arith.constant 0 : i32
      %dma_start3A_613 = tpu.memref_slice %arg9[%dma_start3A_611, %dma_start3A_612] : memref<51200x16xf32, #tpu.memory_space<vmem_shared>> -> memref<51200x16xf32, #tpu.memory_space<vmem_shared>>
      tpu.enqueue_indirect_dma source(%dma_start3A_607 : memref<128x16xf32, #tpu.memory_space<vmem>>) target(%dma_start3A_613 : memref<51200x16xf32, #tpu.memory_space<vmem_shared>>) offsets(%dma_start3A_610 : memref<128xi32, #tpu.memory_space<vmem>>) semaphore(%arg12 : memref<!tpu.dma_semaphore, #tpu.memory_space<semaphore_mem>>) {add = true}
      %dma_start3A_614 = arith.constant 5 : i32
      %dma_start3A_615 = arith.constant 640 : i32
      %dma_start3A_616 = arith.constant 0 : i32
      %dma_start3A_617 = tpu.memref_slice %arg8[%sub3A_558, %dma_start3A_615, %dma_start3A_616] : memref<2x1792x16xf32, #tpu.memory_space<vmem>> -> memref<1x128x16xf32, #tpu.memory_space<vmem>>
      %dma_start3A_618 = tpu.memref_squeeze %dma_start3A_617 : memref<1x128x16xf32, #tpu.memory_space<vmem>> -> memref<128x16xf32, #tpu.memory_space<vmem>>
      %dma_start3A_619 = arith.constant 0 : i32
      %dma_start3A_620 = tpu.memref_slice %arg7[%sub3A_558, %dma_start3A_614, %dma_start3A_619] : memref<2x14x128xi32, #tpu.memory_space<vmem>> -> memref<1x1x128xi32, #tpu.memory_space<vmem>>
      %dma_start3A_621 = tpu.memref_squeeze %dma_start3A_620 : memref<1x1x128xi32, #tpu.memory_space<vmem>> -> memref<128xi32, #tpu.memory_space<vmem>>
      %dma_start3A_622 = arith.constant 0 : i32
      %dma_start3A_623 = arith.constant 0 : i32
      %dma_start3A_624 = tpu.memref_slice %arg9[%dma_start3A_622, %dma_start3A_623] : memref<51200x16xf32, #tpu.memory_space<vmem_shared>> -> memref<51200x16xf32, #tpu.memory_space<vmem_shared>>
      tpu.enqueue_indirect_dma source(%dma_start3A_618 : memref<128x16xf32, #tpu.memory_space<vmem>>) target(%dma_start3A_624 : memref<51200x16xf32, #tpu.memory_space<vmem_shared>>) offsets(%dma_start3A_621 : memref<128xi32, #tpu.memory_space<vmem>>) semaphore(%arg12 : memref<!tpu.dma_semaphore, #tpu.memory_space<semaphore_mem>>) {add = true}
      %dma_start3A_625 = arith.constant 6 : i32
      %dma_start3A_626 = arith.constant 768 : i32
      %dma_start3A_627 = arith.constant 0 : i32
      %dma_start3A_628 = tpu.memref_slice %arg8[%sub3A_558, %dma_start3A_626, %dma_start3A_627] : memref<2x1792x16xf32, #tpu.memory_space<vmem>> -> memref<1x128x16xf32, #tpu.memory_space<vmem>>
      %dma_start3A_629 = tpu.memref_squeeze %dma_start3A_628 : memref<1x128x16xf32, #tpu.memory_space<vmem>> -> memref<128x16xf32, #tpu.memory_space<vmem>>
      %dma_start3A_630 = arith.constant 0 : i32
      %dma_start3A_631 = tpu.memref_slice %arg7[%sub3A_558, %dma_start3A_625, %dma_start3A_630] : memref<2x14x128xi32, #tpu.memory_space<vmem>> -> memref<1x1x128xi32, #tpu.memory_space<vmem>>
      %dma_start3A_632 = tpu.memref_squeeze %dma_start3A_631 : memref<1x1x128xi32, #tpu.memory_space<vmem>> -> memref<128xi32, #tpu.memory_space<vmem>>
      %dma_start3A_633 = arith.constant 0 : i32
      %dma_start3A_634 = arith.constant 0 : i32
      %dma_start3A_635 = tpu.memref_slice %arg9[%dma_start3A_633, %dma_start3A_634] : memref<51200x16xf32, #tpu.memory_space<vmem_shared>> -> memref<51200x16xf32, #tpu.memory_space<vmem_shared>>
      tpu.enqueue_indirect_dma source(%dma_start3A_629 : memref<128x16xf32, #tpu.memory_space<vmem>>) target(%dma_start3A_635 : memref<51200x16xf32, #tpu.memory_space<vmem_shared>>) offsets(%dma_start3A_632 : memref<128xi32, #tpu.memory_space<vmem>>) semaphore(%arg12 : memref<!tpu.dma_semaphore, #tpu.memory_space<semaphore_mem>>) {add = true}
      %dma_start3A_636 = arith.constant 7 : i32
      %dma_start3A_637 = arith.constant 896 : i32
      %dma_start3A_638 = arith.constant 0 : i32
      %dma_start3A_639 = tpu.memref_slice %arg8[%sub3A_558, %dma_start3A_637, %dma_start3A_638] : memref<2x1792x16xf32, #tpu.memory_space<vmem>> -> memref<1x128x16xf32, #tpu.memory_space<vmem>>
      %dma_start3A_640 = tpu.memref_squeeze %dma_start3A_639 : memref<1x128x16xf32, #tpu.memory_space<vmem>> -> memref<128x16xf32, #tpu.memory_space<vmem>>
      %dma_start3A_641 = arith.constant 0 : i32
      %dma_start3A_642 = tpu.memref_slice %arg7[%sub3A_558, %dma_start3A_636, %dma_start3A_641] : memref<2x14x128xi32, #tpu.memory_space<vmem>> -> memref<1x1x128xi32, #tpu.memory_space<vmem>>
      %dma_start3A_643 = tpu.memref_squeeze %dma_start3A_642 : memref<1x1x128xi32, #tpu.memory_space<vmem>> -> memref<128xi32, #tpu.memory_space<vmem>>
      %dma_start3A_644 = arith.constant 0 : i32
      %dma_start3A_645 = arith.constant 0 : i32
      %dma_start3A_646 = tpu.memref_slice %arg9[%dma_start3A_644, %dma_start3A_645] : memref<51200x16xf32, #tpu.memory_space<vmem_shared>> -> memref<51200x16xf32, #tpu.memory_space<vmem_shared>>
      tpu.enqueue_indirect_dma source(%dma_start3A_640 : memref<128x16xf32, #tpu.memory_space<vmem>>) target(%dma_start3A_646 : memref<51200x16xf32, #tpu.memory_space<vmem_shared>>) offsets(%dma_start3A_643 : memref<128xi32, #tpu.memory_space<vmem>>) semaphore(%arg12 : memref<!tpu.dma_semaphore, #tpu.memory_space<semaphore_mem>>) {add = true}
      %dma_start3A_647 = arith.constant 8 : i32
      %dma_start3A_648 = arith.constant 1024 : i32
      %dma_start3A_649 = arith.constant 0 : i32
      %dma_start3A_650 = tpu.memref_slice %arg8[%sub3A_558, %dma_start3A_648, %dma_start3A_649] : memref<2x1792x16xf32, #tpu.memory_space<vmem>> -> memref<1x128x16xf32, #tpu.memory_space<vmem>>
      %dma_start3A_651 = tpu.memref_squeeze %dma_start3A_650 : memref<1x128x16xf32, #tpu.memory_space<vmem>> -> memref<128x16xf32, #tpu.memory_space<vmem>>
      %dma_start3A_652 = arith.constant 0 : i32
      %dma_start3A_653 = tpu.memref_slice %arg7[%sub3A_558, %dma_start3A_647, %dma_start3A_652] : memref<2x14x128xi32, #tpu.memory_space<vmem>> -> memref<1x1x128xi32, #tpu.memory_space<vmem>>
      %dma_start3A_654 = tpu.memref_squeeze %dma_start3A_653 : memref<1x1x128xi32, #tpu.memory_space<vmem>> -> memref<128xi32, #tpu.memory_space<vmem>>
      %dma_start3A_655 = arith.constant 0 : i32
      %dma_start3A_656 = arith.constant 0 : i32
      %dma_start3A_657 = tpu.memref_slice %arg9[%dma_start3A_655, %dma_start3A_656] : memref<51200x16xf32, #tpu.memory_space<vmem_shared>> -> memref<51200x16xf32, #tpu.memory_space<vmem_shared>>
      tpu.enqueue_indirect_dma source(%dma_start3A_651 : memref<128x16xf32, #tpu.memory_space<vmem>>) target(%dma_start3A_657 : memref<51200x16xf32, #tpu.memory_space<vmem_shared>>) offsets(%dma_start3A_654 : memref<128xi32, #tpu.memory_space<vmem>>) semaphore(%arg12 : memref<!tpu.dma_semaphore, #tpu.memory_space<semaphore_mem>>) {add = true}
      %dma_start3A_658 = arith.constant 9 : i32
      %dma_start3A_659 = arith.constant 1152 : i32
      %dma_start3A_660 = arith.constant 0 : i32
      %dma_start3A_661 = tpu.memref_slice %arg8[%sub3A_558, %dma_start3A_659, %dma_start3A_660] : memref<2x1792x16xf32, #tpu.memory_space<vmem>> -> memref<1x128x16xf32, #tpu.memory_space<vmem>>
      %dma_start3A_662 = tpu.memref_squeeze %dma_start3A_661 : memref<1x128x16xf32, #tpu.memory_space<vmem>> -> memref<128x16xf32, #tpu.memory_space<vmem>>
      %dma_start3A_663 = arith.constant 0 : i32
      %dma_start3A_664 = tpu.memref_slice %arg7[%sub3A_558, %dma_start3A_658, %dma_start3A_663] : memref<2x14x128xi32, #tpu.memory_space<vmem>> -> memref<1x1x128xi32, #tpu.memory_space<vmem>>
      %dma_start3A_665 = tpu.memref_squeeze %dma_start3A_664 : memref<1x1x128xi32, #tpu.memory_space<vmem>> -> memref<128xi32, #tpu.memory_space<vmem>>
      %dma_start3A_666 = arith.constant 0 : i32
      %dma_start3A_667 = arith.constant 0 : i32
      %dma_start3A_668 = tpu.memref_slice %arg9[%dma_start3A_666, %dma_start3A_667] : memref<51200x16xf32, #tpu.memory_space<vmem_shared>> -> memref<51200x16xf32, #tpu.memory_space<vmem_shared>>
      tpu.enqueue_indirect_dma source(%dma_start3A_662 : memref<128x16xf32, #tpu.memory_space<vmem>>) target(%dma_start3A_668 : memref<51200x16xf32, #tpu.memory_space<vmem_shared>>) offsets(%dma_start3A_665 : memref<128xi32, #tpu.memory_space<vmem>>) semaphore(%arg12 : memref<!tpu.dma_semaphore, #tpu.memory_space<semaphore_mem>>) {add = true}
      %dma_start3A_669 = arith.constant 10 : i32
      %dma_start3A_670 = arith.constant 1280 : i32
      %dma_start3A_671 = arith.constant 0 : i32
      %dma_start3A_672 = tpu.memref_slice %arg8[%sub3A_558, %dma_start3A_670, %dma_start3A_671] : memref<2x1792x16xf32, #tpu.memory_space<vmem>> -> memref<1x128x16xf32, #tpu.memory_space<vmem>>
      %dma_start3A_673 = tpu.memref_squeeze %dma_start3A_672 : memref<1x128x16xf32, #tpu.memory_space<vmem>> -> memref<128x16xf32, #tpu.memory_space<vmem>>
      %dma_start3A_674 = arith.constant 0 : i32
      %dma_start3A_675 = tpu.memref_slice %arg7[%sub3A_558, %dma_start3A_669, %dma_start3A_674] : memref<2x14x128xi32, #tpu.memory_space<vmem>> -> memref<1x1x128xi32, #tpu.memory_space<vmem>>
      %dma_start3A_676 = tpu.memref_squeeze %dma_start3A_675 : memref<1x1x128xi32, #tpu.memory_space<vmem>> -> memref<128xi32, #tpu.memory_space<vmem>>
      %dma_start3A_677 = arith.constant 0 : i32
      %dma_start3A_678 = arith.constant 0 : i32
      %dma_start3A_679 = tpu.memref_slice %arg9[%dma_start3A_677, %dma_start3A_678] : memref<51200x16xf32, #tpu.memory_space<vmem_shared>> -> memref<51200x16xf32, #tpu.memory_space<vmem_shared>>
      tpu.enqueue_indirect_dma source(%dma_start3A_673 : memref<128x16xf32, #tpu.memory_space<vmem>>) target(%dma_start3A_679 : memref<51200x16xf32, #tpu.memory_space<vmem_shared>>) offsets(%dma_start3A_676 : memref<128xi32, #tpu.memory_space<vmem>>) semaphore(%arg12 : memref<!tpu.dma_semaphore, #tpu.memory_space<semaphore_mem>>) {add = true}
      %dma_start3A_680 = arith.constant 11 : i32
      %dma_start3A_681 = arith.constant 1408 : i32
      %dma_start3A_682 = arith.constant 0 : i32
      %dma_start3A_683 = tpu.memref_slice %arg8[%sub3A_558, %dma_start3A_681, %dma_start3A_682] : memref<2x1792x16xf32, #tpu.memory_space<vmem>> -> memref<1x128x16xf32, #tpu.memory_space<vmem>>
      %dma_start3A_684 = tpu.memref_squeeze %dma_start3A_683 : memref<1x128x16xf32, #tpu.memory_space<vmem>> -> memref<128x16xf32, #tpu.memory_space<vmem>>
      %dma_start3A_685 = arith.constant 0 : i32
      %dma_start3A_686 = tpu.memref_slice %arg7[%sub3A_558, %dma_start3A_680, %dma_start3A_685] : memref<2x14x128xi32, #tpu.memory_space<vmem>> -> memref<1x1x128xi32, #tpu.memory_space<vmem>>
      %dma_start3A_687 = tpu.memref_squeeze %dma_start3A_686 : memref<1x1x128xi32, #tpu.memory_space<vmem>> -> memref<128xi32, #tpu.memory_space<vmem>>
      %dma_start3A_688 = arith.constant 0 : i32
      %dma_start3A_689 = arith.constant 0 : i32
      %dma_start3A_690 = tpu.memref_slice %arg9[%dma_start3A_688, %dma_start3A_689] : memref<51200x16xf32, #tpu.memory_space<vmem_shared>> -> memref<51200x16xf32, #tpu.memory_space<vmem_shared>>
      tpu.enqueue_indirect_dma source(%dma_start3A_684 : memref<128x16xf32, #tpu.memory_space<vmem>>) target(%dma_start3A_690 : memref<51200x16xf32, #tpu.memory_space<vmem_shared>>) offsets(%dma_start3A_687 : memref<128xi32, #tpu.memory_space<vmem>>) semaphore(%arg12 : memref<!tpu.dma_semaphore, #tpu.memory_space<semaphore_mem>>) {add = true}
      %dma_start3A_691 = arith.constant 12 : i32
      %dma_start3A_692 = arith.constant 1536 : i32
      %dma_start3A_693 = arith.constant 0 : i32
      %dma_start3A_694 = tpu.memref_slice %arg8[%sub3A_558, %dma_start3A_692, %dma_start3A_693] : memref<2x1792x16xf32, #tpu.memory_space<vmem>> -> memref<1x128x16xf32, #tpu.memory_space<vmem>>
      %dma_start3A_695 = tpu.memref_squeeze %dma_start3A_694 : memref<1x128x16xf32, #tpu.memory_space<vmem>> -> memref<128x16xf32, #tpu.memory_space<vmem>>
      %dma_start3A_696 = arith.constant 0 : i32
      %dma_start3A_697 = tpu.memref_slice %arg7[%sub3A_558, %dma_start3A_691, %dma_start3A_696] : memref<2x14x128xi32, #tpu.memory_space<vmem>> -> memref<1x1x128xi32, #tpu.memory_space<vmem>>
      %dma_start3A_698 = tpu.memref_squeeze %dma_start3A_697 : memref<1x1x128xi32, #tpu.memory_space<vmem>> -> memref<128xi32, #tpu.memory_space<vmem>>
      %dma_start3A_699 = arith.constant 0 : i32
      %dma_start3A_700 = arith.constant 0 : i32
      %dma_start3A_701 = tpu.memref_slice %arg9[%dma_start3A_699, %dma_start3A_700] : memref<51200x16xf32, #tpu.memory_space<vmem_shared>> -> memref<51200x16xf32, #tpu.memory_space<vmem_shared>>
      tpu.enqueue_indirect_dma source(%dma_start3A_695 : memref<128x16xf32, #tpu.memory_space<vmem>>) target(%dma_start3A_701 : memref<51200x16xf32, #tpu.memory_space<vmem_shared>>) offsets(%dma_start3A_698 : memref<128xi32, #tpu.memory_space<vmem>>) semaphore(%arg12 : memref<!tpu.dma_semaphore, #tpu.memory_space<semaphore_mem>>) {add = true}
      %dma_start3A_702 = arith.constant 13 : i32
      %dma_start3A_703 = arith.constant 1664 : i32
      %dma_start3A_704 = arith.constant 0 : i32
      %dma_start3A_705 = tpu.memref_slice %arg8[%sub3A_558, %dma_start3A_703, %dma_start3A_704] : memref<2x1792x16xf32, #tpu.memory_space<vmem>> -> memref<1x128x16xf32, #tpu.memory_space<vmem>>
      %dma_start3A_706 = tpu.memref_squeeze %dma_start3A_705 : memref<1x128x16xf32, #tpu.memory_space<vmem>> -> memref<128x16xf32, #tpu.memory_space<vmem>>
      %dma_start3A_707 = arith.constant 0 : i32
      %dma_start3A_708 = tpu.memref_slice %arg7[%sub3A_558, %dma_start3A_702, %dma_start3A_707] : memref<2x14x128xi32, #tpu.memory_space<vmem>> -> memref<1x1x128xi32, #tpu.memory_space<vmem>>
      %dma_start3A_709 = tpu.memref_squeeze %dma_start3A_708 : memref<1x1x128xi32, #tpu.memory_space<vmem>> -> memref<128xi32, #tpu.memory_space<vmem>>
      %dma_start3A_710 = arith.constant 0 : i32
      %dma_start3A_711 = arith.constant 0 : i32
      %dma_start3A_712 = tpu.memref_slice %arg9[%dma_start3A_710, %dma_start3A_711] : memref<51200x16xf32, #tpu.memory_space<vmem_shared>> -> memref<51200x16xf32, #tpu.memory_space<vmem_shared>>
      tpu.enqueue_indirect_dma source(%dma_start3A_706 : memref<128x16xf32, #tpu.memory_space<vmem>>) target(%dma_start3A_712 : memref<51200x16xf32, #tpu.memory_space<vmem_shared>>) offsets(%dma_start3A_709 : memref<128xi32, #tpu.memory_space<vmem>>) semaphore(%arg12 : memref<!tpu.dma_semaphore, #tpu.memory_space<semaphore_mem>>) {add = true}
      %dma_wait3A_713 = arith.constant 0 : i32
      %dma_wait3A_714 = arith.constant 0 : i32
      %dma_wait3A_715 = arith.constant 0 : i32
      %dma_wait3A_716 = tpu.memref_slice %arg8[%sub3A_558, %dma_wait3A_714, %dma_wait3A_715] : memref<2x1792x16xf32, #tpu.memory_space<vmem>> -> memref<1x128x16xf32, #tpu.memory_space<vmem>>
      %dma_wait3A_717 = tpu.memref_squeeze %dma_wait3A_716 : memref<1x128x16xf32, #tpu.memory_space<vmem>> -> memref<128x16xf32, #tpu.memory_space<vmem>>
      %dma_wait3A_718 = arith.constant 0 : i32
      %dma_wait3A_719 = tpu.memref_slice %arg7[%sub3A_558, %dma_wait3A_713, %dma_wait3A_718] : memref<2x14x128xi32, #tpu.memory_space<vmem>> -> memref<1x1x128xi32, #tpu.memory_space<vmem>>
      %dma_wait3A_720 = tpu.memref_squeeze %dma_wait3A_719 : memref<1x1x128xi32, #tpu.memory_space<vmem>> -> memref<128xi32, #tpu.memory_space<vmem>>
      %dma_wait3A_721 = arith.constant 0 : i32
      %dma_wait3A_722 = arith.constant 0 : i32
      %dma_wait3A_723 = tpu.memref_slice %arg9[%dma_wait3A_721, %dma_wait3A_722] : memref<51200x16xf32, #tpu.memory_space<vmem_shared>> -> memref<51200x16xf32, #tpu.memory_space<vmem_shared>>
      tpu.wait_indirect_dma semaphore(%arg12 : memref<!tpu.dma_semaphore, #tpu.memory_space<semaphore_mem>>) src(%dma_wait3A_717 : memref<128x16xf32, #tpu.memory_space<vmem>>) dst(%dma_wait3A_723 : memref<51200x16xf32, #tpu.memory_space<vmem_shared>>)
      %dma_wait3A_724 = arith.constant 1 : i32
      %dma_wait3A_725 = arith.constant 128 : i32
      %dma_wait3A_726 = arith.constant 0 : i32
      %dma_wait3A_727 = tpu.memref_slice %arg8[%sub3A_558, %dma_wait3A_725, %dma_wait3A_726] : memref<2x1792x16xf32, #tpu.memory_space<vmem>> -> memref<1x128x16xf32, #tpu.memory_space<vmem>>
      %dma_wait3A_728 = tpu.memref_squeeze %dma_wait3A_727 : memref<1x128x16xf32, #tpu.memory_space<vmem>> -> memref<128x16xf32, #tpu.memory_space<vmem>>
      %dma_wait3A_729 = arith.constant 0 : i32
      %dma_wait3A_730 = tpu.memref_slice %arg7[%sub3A_558, %dma_wait3A_724, %dma_wait3A_729] : memref<2x14x128xi32, #tpu.memory_space<vmem>> -> memref<1x1x128xi32, #tpu.memory_space<vmem>>
      %dma_wait3A_731 = tpu.memref_squeeze %dma_wait3A_730 : memref<1x1x128xi32, #tpu.memory_space<vmem>> -> memref<128xi32, #tpu.memory_space<vmem>>
      %dma_wait3A_732 = arith.constant 0 : i32
      %dma_wait3A_733 = arith.constant 0 : i32
      %dma_wait3A_734 = tpu.memref_slice %arg9[%dma_wait3A_732, %dma_wait3A_733] : memref<51200x16xf32, #tpu.memory_space<vmem_shared>> -> memref<51200x16xf32, #tpu.memory_space<vmem_shared>>
      tpu.wait_indirect_dma semaphore(%arg12 : memref<!tpu.dma_semaphore, #tpu.memory_space<semaphore_mem>>) src(%dma_wait3A_728 : memref<128x16xf32, #tpu.memory_space<vmem>>) dst(%dma_wait3A_734 : memref<51200x16xf32, #tpu.memory_space<vmem_shared>>)
      %dma_wait3A_735 = arith.constant 2 : i32
      %dma_wait3A_736 = arith.constant 256 : i32
      %dma_wait3A_737 = arith.constant 0 : i32
      %dma_wait3A_738 = tpu.memref_slice %arg8[%sub3A_558, %dma_wait3A_736, %dma_wait3A_737] : memref<2x1792x16xf32, #tpu.memory_space<vmem>> -> memref<1x128x16xf32, #tpu.memory_space<vmem>>
      %dma_wait3A_739 = tpu.memref_squeeze %dma_wait3A_738 : memref<1x128x16xf32, #tpu.memory_space<vmem>> -> memref<128x16xf32, #tpu.memory_space<vmem>>
      %dma_wait3A_740 = arith.constant 0 : i32
      %dma_wait3A_741 = tpu.memref_slice %arg7[%sub3A_558, %dma_wait3A_735, %dma_wait3A_740] : memref<2x14x128xi32, #tpu.memory_space<vmem>> -> memref<1x1x128xi32, #tpu.memory_space<vmem>>
      %dma_wait3A_742 = tpu.memref_squeeze %dma_wait3A_741 : memref<1x1x128xi32, #tpu.memory_space<vmem>> -> memref<128xi32, #tpu.memory_space<vmem>>
      %dma_wait3A_743 = arith.constant 0 : i32
      %dma_wait3A_744 = arith.constant 0 : i32
      %dma_wait3A_745 = tpu.memref_slice %arg9[%dma_wait3A_743, %dma_wait3A_744] : memref<51200x16xf32, #tpu.memory_space<vmem_shared>> -> memref<51200x16xf32, #tpu.memory_space<vmem_shared>>
      tpu.wait_indirect_dma semaphore(%arg12 : memref<!tpu.dma_semaphore, #tpu.memory_space<semaphore_mem>>) src(%dma_wait3A_739 : memref<128x16xf32, #tpu.memory_space<vmem>>) dst(%dma_wait3A_745 : memref<51200x16xf32, #tpu.memory_space<vmem_shared>>)
      %dma_wait3A_746 = arith.constant 3 : i32
      %dma_wait3A_747 = arith.constant 384 : i32
      %dma_wait3A_748 = arith.constant 0 : i32
      %dma_wait3A_749 = tpu.memref_slice %arg8[%sub3A_558, %dma_wait3A_747, %dma_wait3A_748] : memref<2x1792x16xf32, #tpu.memory_space<vmem>> -> memref<1x128x16xf32, #tpu.memory_space<vmem>>
      %dma_wait3A_750 = tpu.memref_squeeze %dma_wait3A_749 : memref<1x128x16xf32, #tpu.memory_space<vmem>> -> memref<128x16xf32, #tpu.memory_space<vmem>>
      %dma_wait3A_751 = arith.constant 0 : i32
      %dma_wait3A_752 = tpu.memref_slice %arg7[%sub3A_558, %dma_wait3A_746, %dma_wait3A_751] : memref<2x14x128xi32, #tpu.memory_space<vmem>> -> memref<1x1x128xi32, #tpu.memory_space<vmem>>
      %dma_wait3A_753 = tpu.memref_squeeze %dma_wait3A_752 : memref<1x1x128xi32, #tpu.memory_space<vmem>> -> memref<128xi32, #tpu.memory_space<vmem>>
      %dma_wait3A_754 = arith.constant 0 : i32
      %dma_wait3A_755 = arith.constant 0 : i32
      %dma_wait3A_756 = tpu.memref_slice %arg9[%dma_wait3A_754, %dma_wait3A_755] : memref<51200x16xf32, #tpu.memory_space<vmem_shared>> -> memref<51200x16xf32, #tpu.memory_space<vmem_shared>>
      tpu.wait_indirect_dma semaphore(%arg12 : memref<!tpu.dma_semaphore, #tpu.memory_space<semaphore_mem>>) src(%dma_wait3A_750 : memref<128x16xf32, #tpu.memory_space<vmem>>) dst(%dma_wait3A_756 : memref<51200x16xf32, #tpu.memory_space<vmem_shared>>)
      %dma_wait3A_757 = arith.constant 4 : i32
      %dma_wait3A_758 = arith.constant 512 : i32
      %dma_wait3A_759 = arith.constant 0 : i32
      %dma_wait3A_760 = tpu.memref_slice %arg8[%sub3A_558, %dma_wait3A_758, %dma_wait3A_759] : memref<2x1792x16xf32, #tpu.memory_space<vmem>> -> memref<1x128x16xf32, #tpu.memory_space<vmem>>
      %dma_wait3A_761 = tpu.memref_squeeze %dma_wait3A_760 : memref<1x128x16xf32, #tpu.memory_space<vmem>> -> memref<128x16xf32, #tpu.memory_space<vmem>>
      %dma_wait3A_762 = arith.constant 0 : i32
      %dma_wait3A_763 = tpu.memref_slice %arg7[%sub3A_558, %dma_wait3A_757, %dma_wait3A_762] : memref<2x14x128xi32, #tpu.memory_space<vmem>> -> memref<1x1x128xi32, #tpu.memory_space<vmem>>
      %dma_wait3A_764 = tpu.memref_squeeze %dma_wait3A_763 : memref<1x1x128xi32, #tpu.memory_space<vmem>> -> memref<128xi32, #tpu.memory_space<vmem>>
      %dma_wait3A_765 = arith.constant 0 : i32
      %dma_wait3A_766 = arith.constant 0 : i32
      %dma_wait3A_767 = tpu.memref_slice %arg9[%dma_wait3A_765, %dma_wait3A_766] : memref<51200x16xf32, #tpu.memory_space<vmem_shared>> -> memref<51200x16xf32, #tpu.memory_space<vmem_shared>>
      tpu.wait_indirect_dma semaphore(%arg12 : memref<!tpu.dma_semaphore, #tpu.memory_space<semaphore_mem>>) src(%dma_wait3A_761 : memref<128x16xf32, #tpu.memory_space<vmem>>) dst(%dma_wait3A_767 : memref<51200x16xf32, #tpu.memory_space<vmem_shared>>)
      %dma_wait3A_768 = arith.constant 5 : i32
      %dma_wait3A_769 = arith.constant 640 : i32
      %dma_wait3A_770 = arith.constant 0 : i32
      %dma_wait3A_771 = tpu.memref_slice %arg8[%sub3A_558, %dma_wait3A_769, %dma_wait3A_770] : memref<2x1792x16xf32, #tpu.memory_space<vmem>> -> memref<1x128x16xf32, #tpu.memory_space<vmem>>
      %dma_wait3A_772 = tpu.memref_squeeze %dma_wait3A_771 : memref<1x128x16xf32, #tpu.memory_space<vmem>> -> memref<128x16xf32, #tpu.memory_space<vmem>>
      %dma_wait3A_773 = arith.constant 0 : i32
      %dma_wait3A_774 = tpu.memref_slice %arg7[%sub3A_558, %dma_wait3A_768, %dma_wait3A_773] : memref<2x14x128xi32, #tpu.memory_space<vmem>> -> memref<1x1x128xi32, #tpu.memory_space<vmem>>
      %dma_wait3A_775 = tpu.memref_squeeze %dma_wait3A_774 : memref<1x1x128xi32, #tpu.memory_space<vmem>> -> memref<128xi32, #tpu.memory_space<vmem>>
      %dma_wait3A_776 = arith.constant 0 : i32
      %dma_wait3A_777 = arith.constant 0 : i32
      %dma_wait3A_778 = tpu.memref_slice %arg9[%dma_wait3A_776, %dma_wait3A_777] : memref<51200x16xf32, #tpu.memory_space<vmem_shared>> -> memref<51200x16xf32, #tpu.memory_space<vmem_shared>>
      tpu.wait_indirect_dma semaphore(%arg12 : memref<!tpu.dma_semaphore, #tpu.memory_space<semaphore_mem>>) src(%dma_wait3A_772 : memref<128x16xf32, #tpu.memory_space<vmem>>) dst(%dma_wait3A_778 : memref<51200x16xf32, #tpu.memory_space<vmem_shared>>)
      %dma_wait3A_779 = arith.constant 6 : i32
      %dma_wait3A_780 = arith.constant 768 : i32
      %dma_wait3A_781 = arith.constant 0 : i32
      %dma_wait3A_782 = tpu.memref_slice %arg8[%sub3A_558, %dma_wait3A_780, %dma_wait3A_781] : memref<2x1792x16xf32, #tpu.memory_space<vmem>> -> memref<1x128x16xf32, #tpu.memory_space<vmem>>
      %dma_wait3A_783 = tpu.memref_squeeze %dma_wait3A_782 : memref<1x128x16xf32, #tpu.memory_space<vmem>> -> memref<128x16xf32, #tpu.memory_space<vmem>>
      %dma_wait3A_784 = arith.constant 0 : i32
      %dma_wait3A_785 = tpu.memref_slice %arg7[%sub3A_558, %dma_wait3A_779, %dma_wait3A_784] : memref<2x14x128xi32, #tpu.memory_space<vmem>> -> memref<1x1x128xi32, #tpu.memory_space<vmem>>
      %dma_wait3A_786 = tpu.memref_squeeze %dma_wait3A_785 : memref<1x1x128xi32, #tpu.memory_space<vmem>> -> memref<128xi32, #tpu.memory_space<vmem>>
      %dma_wait3A_787 = arith.constant 0 : i32
      %dma_wait3A_788 = arith.constant 0 : i32
      %dma_wait3A_789 = tpu.memref_slice %arg9[%dma_wait3A_787, %dma_wait3A_788] : memref<51200x16xf32, #tpu.memory_space<vmem_shared>> -> memref<51200x16xf32, #tpu.memory_space<vmem_shared>>
      tpu.wait_indirect_dma semaphore(%arg12 : memref<!tpu.dma_semaphore, #tpu.memory_space<semaphore_mem>>) src(%dma_wait3A_783 : memref<128x16xf32, #tpu.memory_space<vmem>>) dst(%dma_wait3A_789 : memref<51200x16xf32, #tpu.memory_space<vmem_shared>>)
      %dma_wait3A_790 = arith.constant 7 : i32
      %dma_wait3A_791 = arith.constant 896 : i32
      %dma_wait3A_792 = arith.constant 0 : i32
      %dma_wait3A_793 = tpu.memref_slice %arg8[%sub3A_558, %dma_wait3A_791, %dma_wait3A_792] : memref<2x1792x16xf32, #tpu.memory_space<vmem>> -> memref<1x128x16xf32, #tpu.memory_space<vmem>>
      %dma_wait3A_794 = tpu.memref_squeeze %dma_wait3A_793 : memref<1x128x16xf32, #tpu.memory_space<vmem>> -> memref<128x16xf32, #tpu.memory_space<vmem>>
      %dma_wait3A_795 = arith.constant 0 : i32
      %dma_wait3A_796 = tpu.memref_slice %arg7[%sub3A_558, %dma_wait3A_790, %dma_wait3A_795] : memref<2x14x128xi32, #tpu.memory_space<vmem>> -> memref<1x1x128xi32, #tpu.memory_space<vmem>>
      %dma_wait3A_797 = tpu.memref_squeeze %dma_wait3A_796 : memref<1x1x128xi32, #tpu.memory_space<vmem>> -> memref<128xi32, #tpu.memory_space<vmem>>
      %dma_wait3A_798 = arith.constant 0 : i32
      %dma_wait3A_799 = arith.constant 0 : i32
      %dma_wait3A_800 = tpu.memref_slice %arg9[%dma_wait3A_798, %dma_wait3A_799] : memref<51200x16xf32, #tpu.memory_space<vmem_shared>> -> memref<51200x16xf32, #tpu.memory_space<vmem_shared>>
      tpu.wait_indirect_dma semaphore(%arg12 : memref<!tpu.dma_semaphore, #tpu.memory_space<semaphore_mem>>) src(%dma_wait3A_794 : memref<128x16xf32, #tpu.memory_space<vmem>>) dst(%dma_wait3A_800 : memref<51200x16xf32, #tpu.memory_space<vmem_shared>>)
      %dma_wait3A_801 = arith.constant 8 : i32
      %dma_wait3A_802 = arith.constant 1024 : i32
      %dma_wait3A_803 = arith.constant 0 : i32
      %dma_wait3A_804 = tpu.memref_slice %arg8[%sub3A_558, %dma_wait3A_802, %dma_wait3A_803] : memref<2x1792x16xf32, #tpu.memory_space<vmem>> -> memref<1x128x16xf32, #tpu.memory_space<vmem>>
      %dma_wait3A_805 = tpu.memref_squeeze %dma_wait3A_804 : memref<1x128x16xf32, #tpu.memory_space<vmem>> -> memref<128x16xf32, #tpu.memory_space<vmem>>
      %dma_wait3A_806 = arith.constant 0 : i32
      %dma_wait3A_807 = tpu.memref_slice %arg7[%sub3A_558, %dma_wait3A_801, %dma_wait3A_806] : memref<2x14x128xi32, #tpu.memory_space<vmem>> -> memref<1x1x128xi32, #tpu.memory_space<vmem>>
      %dma_wait3A_808 = tpu.memref_squeeze %dma_wait3A_807 : memref<1x1x128xi32, #tpu.memory_space<vmem>> -> memref<128xi32, #tpu.memory_space<vmem>>
      %dma_wait3A_809 = arith.constant 0 : i32
      %dma_wait3A_810 = arith.constant 0 : i32
      %dma_wait3A_811 = tpu.memref_slice %arg9[%dma_wait3A_809, %dma_wait3A_810] : memref<51200x16xf32, #tpu.memory_space<vmem_shared>> -> memref<51200x16xf32, #tpu.memory_space<vmem_shared>>
      tpu.wait_indirect_dma semaphore(%arg12 : memref<!tpu.dma_semaphore, #tpu.memory_space<semaphore_mem>>) src(%dma_wait3A_805 : memref<128x16xf32, #tpu.memory_space<vmem>>) dst(%dma_wait3A_811 : memref<51200x16xf32, #tpu.memory_space<vmem_shared>>)
      %dma_wait3A_812 = arith.constant 9 : i32
      %dma_wait3A_813 = arith.constant 1152 : i32
      %dma_wait3A_814 = arith.constant 0 : i32
      %dma_wait3A_815 = tpu.memref_slice %arg8[%sub3A_558, %dma_wait3A_813, %dma_wait3A_814] : memref<2x1792x16xf32, #tpu.memory_space<vmem>> -> memref<1x128x16xf32, #tpu.memory_space<vmem>>
      %dma_wait3A_816 = tpu.memref_squeeze %dma_wait3A_815 : memref<1x128x16xf32, #tpu.memory_space<vmem>> -> memref<128x16xf32, #tpu.memory_space<vmem>>
      %dma_wait3A_817 = arith.constant 0 : i32
      %dma_wait3A_818 = tpu.memref_slice %arg7[%sub3A_558, %dma_wait3A_812, %dma_wait3A_817] : memref<2x14x128xi32, #tpu.memory_space<vmem>> -> memref<1x1x128xi32, #tpu.memory_space<vmem>>
      %dma_wait3A_819 = tpu.memref_squeeze %dma_wait3A_818 : memref<1x1x128xi32, #tpu.memory_space<vmem>> -> memref<128xi32, #tpu.memory_space<vmem>>
      %dma_wait3A_820 = arith.constant 0 : i32
      %dma_wait3A_821 = arith.constant 0 : i32
      %dma_wait3A_822 = tpu.memref_slice %arg9[%dma_wait3A_820, %dma_wait3A_821] : memref<51200x16xf32, #tpu.memory_space<vmem_shared>> -> memref<51200x16xf32, #tpu.memory_space<vmem_shared>>
      tpu.wait_indirect_dma semaphore(%arg12 : memref<!tpu.dma_semaphore, #tpu.memory_space<semaphore_mem>>) src(%dma_wait3A_816 : memref<128x16xf32, #tpu.memory_space<vmem>>) dst(%dma_wait3A_822 : memref<51200x16xf32, #tpu.memory_space<vmem_shared>>)
      %dma_wait3A_823 = arith.constant 10 : i32
      %dma_wait3A_824 = arith.constant 1280 : i32
      %dma_wait3A_825 = arith.constant 0 : i32
      %dma_wait3A_826 = tpu.memref_slice %arg8[%sub3A_558, %dma_wait3A_824, %dma_wait3A_825] : memref<2x1792x16xf32, #tpu.memory_space<vmem>> -> memref<1x128x16xf32, #tpu.memory_space<vmem>>
      %dma_wait3A_827 = tpu.memref_squeeze %dma_wait3A_826 : memref<1x128x16xf32, #tpu.memory_space<vmem>> -> memref<128x16xf32, #tpu.memory_space<vmem>>
      %dma_wait3A_828 = arith.constant 0 : i32
      %dma_wait3A_829 = tpu.memref_slice %arg7[%sub3A_558, %dma_wait3A_823, %dma_wait3A_828] : memref<2x14x128xi32, #tpu.memory_space<vmem>> -> memref<1x1x128xi32, #tpu.memory_space<vmem>>
      %dma_wait3A_830 = tpu.memref_squeeze %dma_wait3A_829 : memref<1x1x128xi32, #tpu.memory_space<vmem>> -> memref<128xi32, #tpu.memory_space<vmem>>
      %dma_wait3A_831 = arith.constant 0 : i32
      %dma_wait3A_832 = arith.constant 0 : i32
      %dma_wait3A_833 = tpu.memref_slice %arg9[%dma_wait3A_831, %dma_wait3A_832] : memref<51200x16xf32, #tpu.memory_space<vmem_shared>> -> memref<51200x16xf32, #tpu.memory_space<vmem_shared>>
      tpu.wait_indirect_dma semaphore(%arg12 : memref<!tpu.dma_semaphore, #tpu.memory_space<semaphore_mem>>) src(%dma_wait3A_827 : memref<128x16xf32, #tpu.memory_space<vmem>>) dst(%dma_wait3A_833 : memref<51200x16xf32, #tpu.memory_space<vmem_shared>>)
      %dma_wait3A_834 = arith.constant 11 : i32
      %dma_wait3A_835 = arith.constant 1408 : i32
      %dma_wait3A_836 = arith.constant 0 : i32
      %dma_wait3A_837 = tpu.memref_slice %arg8[%sub3A_558, %dma_wait3A_835, %dma_wait3A_836] : memref<2x1792x16xf32, #tpu.memory_space<vmem>> -> memref<1x128x16xf32, #tpu.memory_space<vmem>>
      %dma_wait3A_838 = tpu.memref_squeeze %dma_wait3A_837 : memref<1x128x16xf32, #tpu.memory_space<vmem>> -> memref<128x16xf32, #tpu.memory_space<vmem>>
      %dma_wait3A_839 = arith.constant 0 : i32
      %dma_wait3A_840 = tpu.memref_slice %arg7[%sub3A_558, %dma_wait3A_834, %dma_wait3A_839] : memref<2x14x128xi32, #tpu.memory_space<vmem>> -> memref<1x1x128xi32, #tpu.memory_space<vmem>>
      %dma_wait3A_841 = tpu.memref_squeeze %dma_wait3A_840 : memref<1x1x128xi32, #tpu.memory_space<vmem>> -> memref<128xi32, #tpu.memory_space<vmem>>
      %dma_wait3A_842 = arith.constant 0 : i32
      %dma_wait3A_843 = arith.constant 0 : i32
      %dma_wait3A_844 = tpu.memref_slice %arg9[%dma_wait3A_842, %dma_wait3A_843] : memref<51200x16xf32, #tpu.memory_space<vmem_shared>> -> memref<51200x16xf32, #tpu.memory_space<vmem_shared>>
      tpu.wait_indirect_dma semaphore(%arg12 : memref<!tpu.dma_semaphore, #tpu.memory_space<semaphore_mem>>) src(%dma_wait3A_838 : memref<128x16xf32, #tpu.memory_space<vmem>>) dst(%dma_wait3A_844 : memref<51200x16xf32, #tpu.memory_space<vmem_shared>>)
      %dma_wait3A_845 = arith.constant 12 : i32
      %dma_wait3A_846 = arith.constant 1536 : i32
      %dma_wait3A_847 = arith.constant 0 : i32
      %dma_wait3A_848 = tpu.memref_slice %arg8[%sub3A_558, %dma_wait3A_846, %dma_wait3A_847] : memref<2x1792x16xf32, #tpu.memory_space<vmem>> -> memref<1x128x16xf32, #tpu.memory_space<vmem>>
      %dma_wait3A_849 = tpu.memref_squeeze %dma_wait3A_848 : memref<1x128x16xf32, #tpu.memory_space<vmem>> -> memref<128x16xf32, #tpu.memory_space<vmem>>
      %dma_wait3A_850 = arith.constant 0 : i32
      %dma_wait3A_851 = tpu.memref_slice %arg7[%sub3A_558, %dma_wait3A_845, %dma_wait3A_850] : memref<2x14x128xi32, #tpu.memory_space<vmem>> -> memref<1x1x128xi32, #tpu.memory_space<vmem>>
      %dma_wait3A_852 = tpu.memref_squeeze %dma_wait3A_851 : memref<1x1x128xi32, #tpu.memory_space<vmem>> -> memref<128xi32, #tpu.memory_space<vmem>>
      %dma_wait3A_853 = arith.constant 0 : i32
      %dma_wait3A_854 = arith.constant 0 : i32
      %dma_wait3A_855 = tpu.memref_slice %arg9[%dma_wait3A_853, %dma_wait3A_854] : memref<51200x16xf32, #tpu.memory_space<vmem_shared>> -> memref<51200x16xf32, #tpu.memory_space<vmem_shared>>
      tpu.wait_indirect_dma semaphore(%arg12 : memref<!tpu.dma_semaphore, #tpu.memory_space<semaphore_mem>>) src(%dma_wait3A_849 : memref<128x16xf32, #tpu.memory_space<vmem>>) dst(%dma_wait3A_855 : memref<51200x16xf32, #tpu.memory_space<vmem_shared>>)
      %dma_wait3A_856 = arith.constant 13 : i32
      %dma_wait3A_857 = arith.constant 1664 : i32
      %dma_wait3A_858 = arith.constant 0 : i32
      %dma_wait3A_859 = tpu.memref_slice %arg8[%sub3A_558, %dma_wait3A_857, %dma_wait3A_858] : memref<2x1792x16xf32, #tpu.memory_space<vmem>> -> memref<1x128x16xf32, #tpu.memory_space<vmem>>
      %dma_wait3A_860 = tpu.memref_squeeze %dma_wait3A_859 : memref<1x128x16xf32, #tpu.memory_space<vmem>> -> memref<128x16xf32, #tpu.memory_space<vmem>>
      %dma_wait3A_861 = arith.constant 0 : i32
      %dma_wait3A_862 = tpu.memref_slice %arg7[%sub3A_558, %dma_wait3A_856, %dma_wait3A_861] : memref<2x14x128xi32, #tpu.memory_space<vmem>> -> memref<1x1x128xi32, #tpu.memory_space<vmem>>
      %dma_wait3A_863 = tpu.memref_squeeze %dma_wait3A_862 : memref<1x1x128xi32, #tpu.memory_space<vmem>> -> memref<128xi32, #tpu.memory_space<vmem>>
      %dma_wait3A_864 = arith.constant 0 : i32
      %dma_wait3A_865 = arith.constant 0 : i32
      %dma_wait3A_866 = tpu.memref_slice %arg9[%dma_wait3A_864, %dma_wait3A_865] : memref<51200x16xf32, #tpu.memory_space<vmem_shared>> -> memref<51200x16xf32, #tpu.memory_space<vmem_shared>>
      tpu.wait_indirect_dma semaphore(%arg12 : memref<!tpu.dma_semaphore, #tpu.memory_space<semaphore_mem>>) src(%dma_wait3A_860 : memref<128x16xf32, #tpu.memory_space<vmem>>) dst(%dma_wait3A_866 : memref<51200x16xf32, #tpu.memory_space<vmem_shared>>)
      %add3A_867 = arith.constant 1 : i32
      %add3A_868 = arith.addi %scan3A_503, %add3A_867 : i32
      %lt3A = arith.constant 14 : i32
      %lt3A_869 = arith.cmpi slt, %add3A_868, %lt3A : i32
      %convert_element_type3A = arith.extui %lt3A_869 : i1 to i32
      %cond3A = arith.constant 0 : i32
      %cond3A_870 = arith.cmpi ne, %convert_element_type3A, %cond3A : i32
      scf.if %cond3A_870 {
        %add3A_872 = arith.constant 1 : i32
        %add3A_873 = arith.addi %scan3A_503, %add3A_872 : i32
        %sub3A_874 = arith.constant 1 : i32
        %sub3A_875 = arith.subi %sub3A_874, %rem3A_505 : i32
        %mul3A_876 = arith.constant 1792 : i32
        %mul3A_877 = arith.muli %add3A_873, %mul3A_876 : i32
        %dma_start3A_878 = arith.constant 0 : i32
        %dma_start3A_879 = tpu.memref_slice %arg6[%sub3A_875, %dma_start3A_878] : memref<2x1792xi32, #tpu.memory_space<vmem>> -> memref<1x1792xi32, #tpu.memory_space<vmem>>
        %dma_start3A_880 = tpu.memref_squeeze %dma_start3A_879 : memref<1x1792xi32, #tpu.memory_space<vmem>> -> memref<1792xi32, #tpu.memory_space<vmem>>
        %dma_start3A_881 = tpu.memref_slice %arg3[%add3A, %mul3A_877] : memref<32x25088xi32, #tpu.memory_space<hbm>> -> memref<1x1792xi32, #tpu.memory_space<hbm>>
        %dma_start3A_882 = tpu.memref_squeeze %dma_start3A_881 : memref<1x1792xi32, #tpu.memory_space<hbm>> -> memref<1792xi32, #tpu.memory_space<hbm>>
        %dma_start3A_883 = arith.constant 0 : i32
        %dma_start3A_884 = tpu.memref_slice %arg6[%sub3A_875, %dma_start3A_883] : memref<2x1792xi32, #tpu.memory_space<vmem>> -> memref<1x1792xi32, #tpu.memory_space<vmem>>
        %dma_start3A_885 = tpu.memref_squeeze %dma_start3A_884 : memref<1x1792xi32, #tpu.memory_space<vmem>> -> memref<1792xi32, #tpu.memory_space<vmem>>
        %dma_start3A_886 = tpu.memref_slice %arg3[%add3A, %mul3A_877] : memref<32x25088xi32, #tpu.memory_space<hbm>> -> memref<1x1792xi32, #tpu.memory_space<hbm>>
        %dma_start3A_887 = tpu.memref_squeeze %dma_start3A_886 : memref<1x1792xi32, #tpu.memory_space<hbm>> -> memref<1792xi32, #tpu.memory_space<hbm>>
        tpu.enqueue_dma source(%dma_start3A_887 : memref<1792xi32, #tpu.memory_space<hbm>>) target(%dma_start3A_885 : memref<1792xi32, #tpu.memory_space<vmem>>) target_semaphore(%arg10 : memref<!tpu.dma_semaphore, #tpu.memory_space<semaphore_mem>>)
        %mul3A_888 = arith.constant 14 : i32
        %mul3A_889 = arith.muli %add3A_873, %mul3A_888 : i32
        %dma_start3A_890 = arith.constant 0 : i32
        %dma_start3A_891 = arith.constant 0 : i32
        %dma_start3A_892 = tpu.memref_slice %arg7[%sub3A_875, %dma_start3A_890, %dma_start3A_891] : memref<2x14x128xi32, #tpu.memory_space<vmem>> -> memref<1x14x128xi32, #tpu.memory_space<vmem>>
        %dma_start3A_893 = tpu.memref_squeeze %dma_start3A_892 : memref<1x14x128xi32, #tpu.memory_space<vmem>> -> memref<14x128xi32, #tpu.memory_space<vmem>>
        %dma_start3A_894 = arith.constant 0 : i32
        %dma_start3A_895 = tpu.memref_slice %arg4[%add3A, %mul3A_889, %dma_start3A_894] : memref<32x196x128xi32, #tpu.memory_space<hbm>> -> memref<1x14x128xi32, #tpu.memory_space<hbm>>
        %dma_start3A_896 = tpu.memref_squeeze %dma_start3A_895 : memref<1x14x128xi32, #tpu.memory_space<hbm>> -> memref<14x128xi32, #tpu.memory_space<hbm>>
        %dma_start3A_897 = arith.constant 0 : i32
        %dma_start3A_898 = arith.constant 0 : i32
        %dma_start3A_899 = tpu.memref_slice %arg7[%sub3A_875, %dma_start3A_897, %dma_start3A_898] : memref<2x14x128xi32, #tpu.memory_space<vmem>> -> memref<1x14x128xi32, #tpu.memory_space<vmem>>
        %dma_start3A_900 = tpu.memref_squeeze %dma_start3A_899 : memref<1x14x128xi32, #tpu.memory_space<vmem>> -> memref<14x128xi32, #tpu.memory_space<vmem>>
        %dma_start3A_901 = arith.constant 0 : i32
        %dma_start3A_902 = tpu.memref_slice %arg4[%add3A, %mul3A_889, %dma_start3A_901] : memref<32x196x128xi32, #tpu.memory_space<hbm>> -> memref<1x14x128xi32, #tpu.memory_space<hbm>>
        %dma_start3A_903 = tpu.memref_squeeze %dma_start3A_902 : memref<1x14x128xi32, #tpu.memory_space<hbm>> -> memref<14x128xi32, #tpu.memory_space<hbm>>
        tpu.enqueue_dma source(%dma_start3A_903 : memref<14x128xi32, #tpu.memory_space<hbm>>) target(%dma_start3A_900 : memref<14x128xi32, #tpu.memory_space<vmem>>) target_semaphore(%arg10 : memref<!tpu.dma_semaphore, #tpu.memory_space<semaphore_mem>>)
      } else {
      }
      %scan3A_871 = arith.constant 0 : i32
      scf.yield %scan3A_871 : i32
    }
    %scan3A_123 = arith.constant 13 : i32
    %dma_wait3A_124 = arith.constant 1 : i32
    %dma_wait3A_125 = arith.constant 1 : i32
    %dma_wait3A_126 = arith.constant 0 : i32
    %dma_wait3A_127 = arith.constant 0 : i32
    %dma_wait3A_128 = tpu.memref_slice %arg8[%dma_wait3A_125, %dma_wait3A_126, %dma_wait3A_127] : memref<2x1792x16xf32, #tpu.memory_space<vmem>> -> memref<1x1792x16xf32, #tpu.memory_space<vmem>>
    %dma_wait3A_129 = tpu.memref_squeeze %dma_wait3A_128 : memref<1x1792x16xf32, #tpu.memory_space<vmem>> -> memref<1792x16xf32, #tpu.memory_space<vmem>>
    %dma_wait3A_130 = arith.constant 0 : i32
    %dma_wait3A_131 = tpu.memref_slice %arg6[%dma_wait3A_124, %dma_wait3A_130] : memref<2x1792xi32, #tpu.memory_space<vmem>> -> memref<1x1792xi32, #tpu.memory_space<vmem>>
    %dma_wait3A_132 = tpu.memref_squeeze %dma_wait3A_131 : memref<1x1792xi32, #tpu.memory_space<vmem>> -> memref<1792xi32, #tpu.memory_space<vmem>>
    %dma_wait3A_133 = arith.constant 0 : i32
    %dma_wait3A_134 = arith.constant 0 : i32
    %dma_wait3A_135 = tpu.memref_slice %arg2[%dma_wait3A_133, %dma_wait3A_134] : memref<401408x16xf32, #tpu.memory_space<hbm>> -> memref<401408x16xf32, #tpu.memory_space<hbm>>
    tpu.wait_indirect_dma semaphore(%arg11 : memref<!tpu.dma_semaphore, #tpu.memory_space<semaphore_mem>>) src(%dma_wait3A_135 : memref<401408x16xf32, #tpu.memory_space<hbm>>) dst(%dma_wait3A_129 : memref<1792x16xf32, #tpu.memory_space<vmem>>)
    %dma_start3A_136 = arith.constant 1 : i32
    %dma_start3A_137 = arith.constant 1 : i32
    %dma_start3A_138 = arith.constant 0 : i32
    %dma_start3A_139 = arith.constant 0 : i32
    %dma_start3A_140 = arith.constant 0 : i32
    %dma_start3A_141 = tpu.memref_slice %arg8[%dma_start3A_136, %dma_start3A_139, %dma_start3A_140] : memref<2x1792x16xf32, #tpu.memory_space<vmem>> -> memref<1x128x16xf32, #tpu.memory_space<vmem>>
    %dma_start3A_142 = tpu.memref_squeeze %dma_start3A_141 : memref<1x128x16xf32, #tpu.memory_space<vmem>> -> memref<128x16xf32, #tpu.memory_space<vmem>>
    %dma_start3A_143 = arith.constant 0 : i32
    %dma_start3A_144 = tpu.memref_slice %arg7[%dma_start3A_137, %dma_start3A_138, %dma_start3A_143] : memref<2x14x128xi32, #tpu.memory_space<vmem>> -> memref<1x1x128xi32, #tpu.memory_space<vmem>>
    %dma_start3A_145 = tpu.memref_squeeze %dma_start3A_144 : memref<1x1x128xi32, #tpu.memory_space<vmem>> -> memref<128xi32, #tpu.memory_space<vmem>>
    %dma_start3A_146 = arith.constant 0 : i32
    %dma_start3A_147 = arith.constant 0 : i32
    %dma_start3A_148 = tpu.memref_slice %arg9[%dma_start3A_146, %dma_start3A_147] : memref<51200x16xf32, #tpu.memory_space<vmem_shared>> -> memref<51200x16xf32, #tpu.memory_space<vmem_shared>>
    tpu.enqueue_indirect_dma source(%dma_start3A_142 : memref<128x16xf32, #tpu.memory_space<vmem>>) target(%dma_start3A_148 : memref<51200x16xf32, #tpu.memory_space<vmem_shared>>) offsets(%dma_start3A_145 : memref<128xi32, #tpu.memory_space<vmem>>) semaphore(%arg12 : memref<!tpu.dma_semaphore, #tpu.memory_space<semaphore_mem>>) {add = true}
    %dma_start3A_149 = arith.constant 1 : i32
    %dma_start3A_150 = arith.constant 1 : i32
    %dma_start3A_151 = arith.constant 1 : i32
    %dma_start3A_152 = arith.constant 128 : i32
    %dma_start3A_153 = arith.constant 0 : i32
    %dma_start3A_154 = tpu.memref_slice %arg8[%dma_start3A_149, %dma_start3A_152, %dma_start3A_153] : memref<2x1792x16xf32, #tpu.memory_space<vmem>> -> memref<1x128x16xf32, #tpu.memory_space<vmem>>
    %dma_start3A_155 = tpu.memref_squeeze %dma_start3A_154 : memref<1x128x16xf32, #tpu.memory_space<vmem>> -> memref<128x16xf32, #tpu.memory_space<vmem>>
    %dma_start3A_156 = arith.constant 0 : i32
    %dma_start3A_157 = tpu.memref_slice %arg7[%dma_start3A_150, %dma_start3A_151, %dma_start3A_156] : memref<2x14x128xi32, #tpu.memory_space<vmem>> -> memref<1x1x128xi32, #tpu.memory_space<vmem>>
    %dma_start3A_158 = tpu.memref_squeeze %dma_start3A_157 : memref<1x1x128xi32, #tpu.memory_space<vmem>> -> memref<128xi32, #tpu.memory_space<vmem>>
    %dma_start3A_159 = arith.constant 0 : i32
    %dma_start3A_160 = arith.constant 0 : i32
    %dma_start3A_161 = tpu.memref_slice %arg9[%dma_start3A_159, %dma_start3A_160] : memref<51200x16xf32, #tpu.memory_space<vmem_shared>> -> memref<51200x16xf32, #tpu.memory_space<vmem_shared>>
    tpu.enqueue_indirect_dma source(%dma_start3A_155 : memref<128x16xf32, #tpu.memory_space<vmem>>) target(%dma_start3A_161 : memref<51200x16xf32, #tpu.memory_space<vmem_shared>>) offsets(%dma_start3A_158 : memref<128xi32, #tpu.memory_space<vmem>>) semaphore(%arg12 : memref<!tpu.dma_semaphore, #tpu.memory_space<semaphore_mem>>) {add = true}
    %dma_start3A_162 = arith.constant 1 : i32
    %dma_start3A_163 = arith.constant 1 : i32
    %dma_start3A_164 = arith.constant 2 : i32
    %dma_start3A_165 = arith.constant 256 : i32
    %dma_start3A_166 = arith.constant 0 : i32
    %dma_start3A_167 = tpu.memref_slice %arg8[%dma_start3A_162, %dma_start3A_165, %dma_start3A_166] : memref<2x1792x16xf32, #tpu.memory_space<vmem>> -> memref<1x128x16xf32, #tpu.memory_space<vmem>>
    %dma_start3A_168 = tpu.memref_squeeze %dma_start3A_167 : memref<1x128x16xf32, #tpu.memory_space<vmem>> -> memref<128x16xf32, #tpu.memory_space<vmem>>
    %dma_start3A_169 = arith.constant 0 : i32
    %dma_start3A_170 = tpu.memref_slice %arg7[%dma_start3A_163, %dma_start3A_164, %dma_start3A_169] : memref<2x14x128xi32, #tpu.memory_space<vmem>> -> memref<1x1x128xi32, #tpu.memory_space<vmem>>
    %dma_start3A_171 = tpu.memref_squeeze %dma_start3A_170 : memref<1x1x128xi32, #tpu.memory_space<vmem>> -> memref<128xi32, #tpu.memory_space<vmem>>
    %dma_start3A_172 = arith.constant 0 : i32
    %dma_start3A_173 = arith.constant 0 : i32
    %dma_start3A_174 = tpu.memref_slice %arg9[%dma_start3A_172, %dma_start3A_173] : memref<51200x16xf32, #tpu.memory_space<vmem_shared>> -> memref<51200x16xf32, #tpu.memory_space<vmem_shared>>
    tpu.enqueue_indirect_dma source(%dma_start3A_168 : memref<128x16xf32, #tpu.memory_space<vmem>>) target(%dma_start3A_174 : memref<51200x16xf32, #tpu.memory_space<vmem_shared>>) offsets(%dma_start3A_171 : memref<128xi32, #tpu.memory_space<vmem>>) semaphore(%arg12 : memref<!tpu.dma_semaphore, #tpu.memory_space<semaphore_mem>>) {add = true}
    %dma_start3A_175 = arith.constant 1 : i32
    %dma_start3A_176 = arith.constant 1 : i32
    %dma_start3A_177 = arith.constant 3 : i32
    %dma_start3A_178 = arith.constant 384 : i32
    %dma_start3A_179 = arith.constant 0 : i32
    %dma_start3A_180 = tpu.memref_slice %arg8[%dma_start3A_175, %dma_start3A_178, %dma_start3A_179] : memref<2x1792x16xf32, #tpu.memory_space<vmem>> -> memref<1x128x16xf32, #tpu.memory_space<vmem>>
    %dma_start3A_181 = tpu.memref_squeeze %dma_start3A_180 : memref<1x128x16xf32, #tpu.memory_space<vmem>> -> memref<128x16xf32, #tpu.memory_space<vmem>>
    %dma_start3A_182 = arith.constant 0 : i32
    %dma_start3A_183 = tpu.memref_slice %arg7[%dma_start3A_176, %dma_start3A_177, %dma_start3A_182] : memref<2x14x128xi32, #tpu.memory_space<vmem>> -> memref<1x1x128xi32, #tpu.memory_space<vmem>>
    %dma_start3A_184 = tpu.memref_squeeze %dma_start3A_183 : memref<1x1x128xi32, #tpu.memory_space<vmem>> -> memref<128xi32, #tpu.memory_space<vmem>>
    %dma_start3A_185 = arith.constant 0 : i32
    %dma_start3A_186 = arith.constant 0 : i32
    %dma_start3A_187 = tpu.memref_slice %arg9[%dma_start3A_185, %dma_start3A_186] : memref<51200x16xf32, #tpu.memory_space<vmem_shared>> -> memref<51200x16xf32, #tpu.memory_space<vmem_shared>>
    tpu.enqueue_indirect_dma source(%dma_start3A_181 : memref<128x16xf32, #tpu.memory_space<vmem>>) target(%dma_start3A_187 : memref<51200x16xf32, #tpu.memory_space<vmem_shared>>) offsets(%dma_start3A_184 : memref<128xi32, #tpu.memory_space<vmem>>) semaphore(%arg12 : memref<!tpu.dma_semaphore, #tpu.memory_space<semaphore_mem>>) {add = true}
    %dma_start3A_188 = arith.constant 1 : i32
    %dma_start3A_189 = arith.constant 1 : i32
    %dma_start3A_190 = arith.constant 4 : i32
    %dma_start3A_191 = arith.constant 512 : i32
    %dma_start3A_192 = arith.constant 0 : i32
    %dma_start3A_193 = tpu.memref_slice %arg8[%dma_start3A_188, %dma_start3A_191, %dma_start3A_192] : memref<2x1792x16xf32, #tpu.memory_space<vmem>> -> memref<1x128x16xf32, #tpu.memory_space<vmem>>
    %dma_start3A_194 = tpu.memref_squeeze %dma_start3A_193 : memref<1x128x16xf32, #tpu.memory_space<vmem>> -> memref<128x16xf32, #tpu.memory_space<vmem>>
    %dma_start3A_195 = arith.constant 0 : i32
    %dma_start3A_196 = tpu.memref_slice %arg7[%dma_start3A_189, %dma_start3A_190, %dma_start3A_195] : memref<2x14x128xi32, #tpu.memory_space<vmem>> -> memref<1x1x128xi32, #tpu.memory_space<vmem>>
    %dma_start3A_197 = tpu.memref_squeeze %dma_start3A_196 : memref<1x1x128xi32, #tpu.memory_space<vmem>> -> memref<128xi32, #tpu.memory_space<vmem>>
    %dma_start3A_198 = arith.constant 0 : i32
    %dma_start3A_199 = arith.constant 0 : i32
    %dma_start3A_200 = tpu.memref_slice %arg9[%dma_start3A_198, %dma_start3A_199] : memref<51200x16xf32, #tpu.memory_space<vmem_shared>> -> memref<51200x16xf32, #tpu.memory_space<vmem_shared>>
    tpu.enqueue_indirect_dma source(%dma_start3A_194 : memref<128x16xf32, #tpu.memory_space<vmem>>) target(%dma_start3A_200 : memref<51200x16xf32, #tpu.memory_space<vmem_shared>>) offsets(%dma_start3A_197 : memref<128xi32, #tpu.memory_space<vmem>>) semaphore(%arg12 : memref<!tpu.dma_semaphore, #tpu.memory_space<semaphore_mem>>) {add = true}
    %dma_start3A_201 = arith.constant 1 : i32
    %dma_start3A_202 = arith.constant 1 : i32
    %dma_start3A_203 = arith.constant 5 : i32
    %dma_start3A_204 = arith.constant 640 : i32
    %dma_start3A_205 = arith.constant 0 : i32
    %dma_start3A_206 = tpu.memref_slice %arg8[%dma_start3A_201, %dma_start3A_204, %dma_start3A_205] : memref<2x1792x16xf32, #tpu.memory_space<vmem>> -> memref<1x128x16xf32, #tpu.memory_space<vmem>>
    %dma_start3A_207 = tpu.memref_squeeze %dma_start3A_206 : memref<1x128x16xf32, #tpu.memory_space<vmem>> -> memref<128x16xf32, #tpu.memory_space<vmem>>
    %dma_start3A_208 = arith.constant 0 : i32
    %dma_start3A_209 = tpu.memref_slice %arg7[%dma_start3A_202, %dma_start3A_203, %dma_start3A_208] : memref<2x14x128xi32, #tpu.memory_space<vmem>> -> memref<1x1x128xi32, #tpu.memory_space<vmem>>
    %dma_start3A_210 = tpu.memref_squeeze %dma_start3A_209 : memref<1x1x128xi32, #tpu.memory_space<vmem>> -> memref<128xi32, #tpu.memory_space<vmem>>
    %dma_start3A_211 = arith.constant 0 : i32
    %dma_start3A_212 = arith.constant 0 : i32
    %dma_start3A_213 = tpu.memref_slice %arg9[%dma_start3A_211, %dma_start3A_212] : memref<51200x16xf32, #tpu.memory_space<vmem_shared>> -> memref<51200x16xf32, #tpu.memory_space<vmem_shared>>
    tpu.enqueue_indirect_dma source(%dma_start3A_207 : memref<128x16xf32, #tpu.memory_space<vmem>>) target(%dma_start3A_213 : memref<51200x16xf32, #tpu.memory_space<vmem_shared>>) offsets(%dma_start3A_210 : memref<128xi32, #tpu.memory_space<vmem>>) semaphore(%arg12 : memref<!tpu.dma_semaphore, #tpu.memory_space<semaphore_mem>>) {add = true}
    %dma_start3A_214 = arith.constant 1 : i32
    %dma_start3A_215 = arith.constant 1 : i32
    %dma_start3A_216 = arith.constant 6 : i32
    %dma_start3A_217 = arith.constant 768 : i32
    %dma_start3A_218 = arith.constant 0 : i32
    %dma_start3A_219 = tpu.memref_slice %arg8[%dma_start3A_214, %dma_start3A_217, %dma_start3A_218] : memref<2x1792x16xf32, #tpu.memory_space<vmem>> -> memref<1x128x16xf32, #tpu.memory_space<vmem>>
    %dma_start3A_220 = tpu.memref_squeeze %dma_start3A_219 : memref<1x128x16xf32, #tpu.memory_space<vmem>> -> memref<128x16xf32, #tpu.memory_space<vmem>>
    %dma_start3A_221 = arith.constant 0 : i32
    %dma_start3A_222 = tpu.memref_slice %arg7[%dma_start3A_215, %dma_start3A_216, %dma_start3A_221] : memref<2x14x128xi32, #tpu.memory_space<vmem>> -> memref<1x1x128xi32, #tpu.memory_space<vmem>>
    %dma_start3A_223 = tpu.memref_squeeze %dma_start3A_222 : memref<1x1x128xi32, #tpu.memory_space<vmem>> -> memref<128xi32, #tpu.memory_space<vmem>>
    %dma_start3A_224 = arith.constant 0 : i32
    %dma_start3A_225 = arith.constant 0 : i32
    %dma_start3A_226 = tpu.memref_slice %arg9[%dma_start3A_224, %dma_start3A_225] : memref<51200x16xf32, #tpu.memory_space<vmem_shared>> -> memref<51200x16xf32, #tpu.memory_space<vmem_shared>>
    tpu.enqueue_indirect_dma source(%dma_start3A_220 : memref<128x16xf32, #tpu.memory_space<vmem>>) target(%dma_start3A_226 : memref<51200x16xf32, #tpu.memory_space<vmem_shared>>) offsets(%dma_start3A_223 : memref<128xi32, #tpu.memory_space<vmem>>) semaphore(%arg12 : memref<!tpu.dma_semaphore, #tpu.memory_space<semaphore_mem>>) {add = true}
    %dma_start3A_227 = arith.constant 1 : i32
    %dma_start3A_228 = arith.constant 1 : i32
    %dma_start3A_229 = arith.constant 7 : i32
    %dma_start3A_230 = arith.constant 896 : i32
    %dma_start3A_231 = arith.constant 0 : i32
    %dma_start3A_232 = tpu.memref_slice %arg8[%dma_start3A_227, %dma_start3A_230, %dma_start3A_231] : memref<2x1792x16xf32, #tpu.memory_space<vmem>> -> memref<1x128x16xf32, #tpu.memory_space<vmem>>
    %dma_start3A_233 = tpu.memref_squeeze %dma_start3A_232 : memref<1x128x16xf32, #tpu.memory_space<vmem>> -> memref<128x16xf32, #tpu.memory_space<vmem>>
    %dma_start3A_234 = arith.constant 0 : i32
    %dma_start3A_235 = tpu.memref_slice %arg7[%dma_start3A_228, %dma_start3A_229, %dma_start3A_234] : memref<2x14x128xi32, #tpu.memory_space<vmem>> -> memref<1x1x128xi32, #tpu.memory_space<vmem>>
    %dma_start3A_236 = tpu.memref_squeeze %dma_start3A_235 : memref<1x1x128xi32, #tpu.memory_space<vmem>> -> memref<128xi32, #tpu.memory_space<vmem>>
    %dma_start3A_237 = arith.constant 0 : i32
    %dma_start3A_238 = arith.constant 0 : i32
    %dma_start3A_239 = tpu.memref_slice %arg9[%dma_start3A_237, %dma_start3A_238] : memref<51200x16xf32, #tpu.memory_space<vmem_shared>> -> memref<51200x16xf32, #tpu.memory_space<vmem_shared>>
    tpu.enqueue_indirect_dma source(%dma_start3A_233 : memref<128x16xf32, #tpu.memory_space<vmem>>) target(%dma_start3A_239 : memref<51200x16xf32, #tpu.memory_space<vmem_shared>>) offsets(%dma_start3A_236 : memref<128xi32, #tpu.memory_space<vmem>>) semaphore(%arg12 : memref<!tpu.dma_semaphore, #tpu.memory_space<semaphore_mem>>) {add = true}
    %dma_start3A_240 = arith.constant 1 : i32
    %dma_start3A_241 = arith.constant 1 : i32
    %dma_start3A_242 = arith.constant 8 : i32
    %dma_start3A_243 = arith.constant 1024 : i32
    %dma_start3A_244 = arith.constant 0 : i32
    %dma_start3A_245 = tpu.memref_slice %arg8[%dma_start3A_240, %dma_start3A_243, %dma_start3A_244] : memref<2x1792x16xf32, #tpu.memory_space<vmem>> -> memref<1x128x16xf32, #tpu.memory_space<vmem>>
    %dma_start3A_246 = tpu.memref_squeeze %dma_start3A_245 : memref<1x128x16xf32, #tpu.memory_space<vmem>> -> memref<128x16xf32, #tpu.memory_space<vmem>>
    %dma_start3A_247 = arith.constant 0 : i32
    %dma_start3A_248 = tpu.memref_slice %arg7[%dma_start3A_241, %dma_start3A_242, %dma_start3A_247] : memref<2x14x128xi32, #tpu.memory_space<vmem>> -> memref<1x1x128xi32, #tpu.memory_space<vmem>>
    %dma_start3A_249 = tpu.memref_squeeze %dma_start3A_248 : memref<1x1x128xi32, #tpu.memory_space<vmem>> -> memref<128xi32, #tpu.memory_space<vmem>>
    %dma_start3A_250 = arith.constant 0 : i32
    %dma_start3A_251 = arith.constant 0 : i32
    %dma_start3A_252 = tpu.memref_slice %arg9[%dma_start3A_250, %dma_start3A_251] : memref<51200x16xf32, #tpu.memory_space<vmem_shared>> -> memref<51200x16xf32, #tpu.memory_space<vmem_shared>>
    tpu.enqueue_indirect_dma source(%dma_start3A_246 : memref<128x16xf32, #tpu.memory_space<vmem>>) target(%dma_start3A_252 : memref<51200x16xf32, #tpu.memory_space<vmem_shared>>) offsets(%dma_start3A_249 : memref<128xi32, #tpu.memory_space<vmem>>) semaphore(%arg12 : memref<!tpu.dma_semaphore, #tpu.memory_space<semaphore_mem>>) {add = true}
    %dma_start3A_253 = arith.constant 1 : i32
    %dma_start3A_254 = arith.constant 1 : i32
    %dma_start3A_255 = arith.constant 9 : i32
    %dma_start3A_256 = arith.constant 1152 : i32
    %dma_start3A_257 = arith.constant 0 : i32
    %dma_start3A_258 = tpu.memref_slice %arg8[%dma_start3A_253, %dma_start3A_256, %dma_start3A_257] : memref<2x1792x16xf32, #tpu.memory_space<vmem>> -> memref<1x128x16xf32, #tpu.memory_space<vmem>>
    %dma_start3A_259 = tpu.memref_squeeze %dma_start3A_258 : memref<1x128x16xf32, #tpu.memory_space<vmem>> -> memref<128x16xf32, #tpu.memory_space<vmem>>
    %dma_start3A_260 = arith.constant 0 : i32
    %dma_start3A_261 = tpu.memref_slice %arg7[%dma_start3A_254, %dma_start3A_255, %dma_start3A_260] : memref<2x14x128xi32, #tpu.memory_space<vmem>> -> memref<1x1x128xi32, #tpu.memory_space<vmem>>
    %dma_start3A_262 = tpu.memref_squeeze %dma_start3A_261 : memref<1x1x128xi32, #tpu.memory_space<vmem>> -> memref<128xi32, #tpu.memory_space<vmem>>
    %dma_start3A_263 = arith.constant 0 : i32
    %dma_start3A_264 = arith.constant 0 : i32
    %dma_start3A_265 = tpu.memref_slice %arg9[%dma_start3A_263, %dma_start3A_264] : memref<51200x16xf32, #tpu.memory_space<vmem_shared>> -> memref<51200x16xf32, #tpu.memory_space<vmem_shared>>
    tpu.enqueue_indirect_dma source(%dma_start3A_259 : memref<128x16xf32, #tpu.memory_space<vmem>>) target(%dma_start3A_265 : memref<51200x16xf32, #tpu.memory_space<vmem_shared>>) offsets(%dma_start3A_262 : memref<128xi32, #tpu.memory_space<vmem>>) semaphore(%arg12 : memref<!tpu.dma_semaphore, #tpu.memory_space<semaphore_mem>>) {add = true}
    %dma_start3A_266 = arith.constant 1 : i32
    %dma_start3A_267 = arith.constant 1 : i32
    %dma_start3A_268 = arith.constant 10 : i32
    %dma_start3A_269 = arith.constant 1280 : i32
    %dma_start3A_270 = arith.constant 0 : i32
    %dma_start3A_271 = tpu.memref_slice %arg8[%dma_start3A_266, %dma_start3A_269, %dma_start3A_270] : memref<2x1792x16xf32, #tpu.memory_space<vmem>> -> memref<1x128x16xf32, #tpu.memory_space<vmem>>
    %dma_start3A_272 = tpu.memref_squeeze %dma_start3A_271 : memref<1x128x16xf32, #tpu.memory_space<vmem>> -> memref<128x16xf32, #tpu.memory_space<vmem>>
    %dma_start3A_273 = arith.constant 0 : i32
    %dma_start3A_274 = tpu.memref_slice %arg7[%dma_start3A_267, %dma_start3A_268, %dma_start3A_273] : memref<2x14x128xi32, #tpu.memory_space<vmem>> -> memref<1x1x128xi32, #tpu.memory_space<vmem>>
    %dma_start3A_275 = tpu.memref_squeeze %dma_start3A_274 : memref<1x1x128xi32, #tpu.memory_space<vmem>> -> memref<128xi32, #tpu.memory_space<vmem>>
    %dma_start3A_276 = arith.constant 0 : i32
    %dma_start3A_277 = arith.constant 0 : i32
    %dma_start3A_278 = tpu.memref_slice %arg9[%dma_start3A_276, %dma_start3A_277] : memref<51200x16xf32, #tpu.memory_space<vmem_shared>> -> memref<51200x16xf32, #tpu.memory_space<vmem_shared>>
    tpu.enqueue_indirect_dma source(%dma_start3A_272 : memref<128x16xf32, #tpu.memory_space<vmem>>) target(%dma_start3A_278 : memref<51200x16xf32, #tpu.memory_space<vmem_shared>>) offsets(%dma_start3A_275 : memref<128xi32, #tpu.memory_space<vmem>>) semaphore(%arg12 : memref<!tpu.dma_semaphore, #tpu.memory_space<semaphore_mem>>) {add = true}
    %dma_start3A_279 = arith.constant 1 : i32
    %dma_start3A_280 = arith.constant 1 : i32
    %dma_start3A_281 = arith.constant 11 : i32
    %dma_start3A_282 = arith.constant 1408 : i32
    %dma_start3A_283 = arith.constant 0 : i32
    %dma_start3A_284 = tpu.memref_slice %arg8[%dma_start3A_279, %dma_start3A_282, %dma_start3A_283] : memref<2x1792x16xf32, #tpu.memory_space<vmem>> -> memref<1x128x16xf32, #tpu.memory_space<vmem>>
    %dma_start3A_285 = tpu.memref_squeeze %dma_start3A_284 : memref<1x128x16xf32, #tpu.memory_space<vmem>> -> memref<128x16xf32, #tpu.memory_space<vmem>>
    %dma_start3A_286 = arith.constant 0 : i32
    %dma_start3A_287 = tpu.memref_slice %arg7[%dma_start3A_280, %dma_start3A_281, %dma_start3A_286] : memref<2x14x128xi32, #tpu.memory_space<vmem>> -> memref<1x1x128xi32, #tpu.memory_space<vmem>>
    %dma_start3A_288 = tpu.memref_squeeze %dma_start3A_287 : memref<1x1x128xi32, #tpu.memory_space<vmem>> -> memref<128xi32, #tpu.memory_space<vmem>>
    %dma_start3A_289 = arith.constant 0 : i32
    %dma_start3A_290 = arith.constant 0 : i32
    %dma_start3A_291 = tpu.memref_slice %arg9[%dma_start3A_289, %dma_start3A_290] : memref<51200x16xf32, #tpu.memory_space<vmem_shared>> -> memref<51200x16xf32, #tpu.memory_space<vmem_shared>>
    tpu.enqueue_indirect_dma source(%dma_start3A_285 : memref<128x16xf32, #tpu.memory_space<vmem>>) target(%dma_start3A_291 : memref<51200x16xf32, #tpu.memory_space<vmem_shared>>) offsets(%dma_start3A_288 : memref<128xi32, #tpu.memory_space<vmem>>) semaphore(%arg12 : memref<!tpu.dma_semaphore, #tpu.memory_space<semaphore_mem>>) {add = true}
    %dma_start3A_292 = arith.constant 1 : i32
    %dma_start3A_293 = arith.constant 1 : i32
    %dma_start3A_294 = arith.constant 12 : i32
    %dma_start3A_295 = arith.constant 1536 : i32
    %dma_start3A_296 = arith.constant 0 : i32
    %dma_start3A_297 = tpu.memref_slice %arg8[%dma_start3A_292, %dma_start3A_295, %dma_start3A_296] : memref<2x1792x16xf32, #tpu.memory_space<vmem>> -> memref<1x128x16xf32, #tpu.memory_space<vmem>>
    %dma_start3A_298 = tpu.memref_squeeze %dma_start3A_297 : memref<1x128x16xf32, #tpu.memory_space<vmem>> -> memref<128x16xf32, #tpu.memory_space<vmem>>
    %dma_start3A_299 = arith.constant 0 : i32
    %dma_start3A_300 = tpu.memref_slice %arg7[%dma_start3A_293, %dma_start3A_294, %dma_start3A_299] : memref<2x14x128xi32, #tpu.memory_space<vmem>> -> memref<1x1x128xi32, #tpu.memory_space<vmem>>
    %dma_start3A_301 = tpu.memref_squeeze %dma_start3A_300 : memref<1x1x128xi32, #tpu.memory_space<vmem>> -> memref<128xi32, #tpu.memory_space<vmem>>
    %dma_start3A_302 = arith.constant 0 : i32
    %dma_start3A_303 = arith.constant 0 : i32
    %dma_start3A_304 = tpu.memref_slice %arg9[%dma_start3A_302, %dma_start3A_303] : memref<51200x16xf32, #tpu.memory_space<vmem_shared>> -> memref<51200x16xf32, #tpu.memory_space<vmem_shared>>
    tpu.enqueue_indirect_dma source(%dma_start3A_298 : memref<128x16xf32, #tpu.memory_space<vmem>>) target(%dma_start3A_304 : memref<51200x16xf32, #tpu.memory_space<vmem_shared>>) offsets(%dma_start3A_301 : memref<128xi32, #tpu.memory_space<vmem>>) semaphore(%arg12 : memref<!tpu.dma_semaphore, #tpu.memory_space<semaphore_mem>>) {add = true}
    %dma_start3A_305 = arith.constant 1 : i32
    %dma_start3A_306 = arith.constant 1 : i32
    %dma_start3A_307 = arith.constant 13 : i32
    %dma_start3A_308 = arith.constant 1664 : i32
    %dma_start3A_309 = arith.constant 0 : i32
    %dma_start3A_310 = tpu.memref_slice %arg8[%dma_start3A_305, %dma_start3A_308, %dma_start3A_309] : memref<2x1792x16xf32, #tpu.memory_space<vmem>> -> memref<1x128x16xf32, #tpu.memory_space<vmem>>
    %dma_start3A_311 = tpu.memref_squeeze %dma_start3A_310 : memref<1x128x16xf32, #tpu.memory_space<vmem>> -> memref<128x16xf32, #tpu.memory_space<vmem>>
    %dma_start3A_312 = arith.constant 0 : i32
    %dma_start3A_313 = tpu.memref_slice %arg7[%dma_start3A_306, %dma_start3A_307, %dma_start3A_312] : memref<2x14x128xi32, #tpu.memory_space<vmem>> -> memref<1x1x128xi32, #tpu.memory_space<vmem>>
    %dma_start3A_314 = tpu.memref_squeeze %dma_start3A_313 : memref<1x1x128xi32, #tpu.memory_space<vmem>> -> memref<128xi32, #tpu.memory_space<vmem>>
    %dma_start3A_315 = arith.constant 0 : i32
    %dma_start3A_316 = arith.constant 0 : i32
    %dma_start3A_317 = tpu.memref_slice %arg9[%dma_start3A_315, %dma_start3A_316] : memref<51200x16xf32, #tpu.memory_space<vmem_shared>> -> memref<51200x16xf32, #tpu.memory_space<vmem_shared>>
    tpu.enqueue_indirect_dma source(%dma_start3A_311 : memref<128x16xf32, #tpu.memory_space<vmem>>) target(%dma_start3A_317 : memref<51200x16xf32, #tpu.memory_space<vmem_shared>>) offsets(%dma_start3A_314 : memref<128xi32, #tpu.memory_space<vmem>>) semaphore(%arg12 : memref<!tpu.dma_semaphore, #tpu.memory_space<semaphore_mem>>) {add = true}
    %dma_wait3A_318 = arith.constant 1 : i32
    %dma_wait3A_319 = arith.constant 1 : i32
    %dma_wait3A_320 = arith.constant 0 : i32
    %dma_wait3A_321 = arith.constant 0 : i32
    %dma_wait3A_322 = arith.constant 0 : i32
    %dma_wait3A_323 = tpu.memref_slice %arg8[%dma_wait3A_318, %dma_wait3A_321, %dma_wait3A_322] : memref<2x1792x16xf32, #tpu.memory_space<vmem>> -> memref<1x128x16xf32, #tpu.memory_space<vmem>>
    %dma_wait3A_324 = tpu.memref_squeeze %dma_wait3A_323 : memref<1x128x16xf32, #tpu.memory_space<vmem>> -> memref<128x16xf32, #tpu.memory_space<vmem>>
    %dma_wait3A_325 = arith.constant 0 : i32
    %dma_wait3A_326 = tpu.memref_slice %arg7[%dma_wait3A_319, %dma_wait3A_320, %dma_wait3A_325] : memref<2x14x128xi32, #tpu.memory_space<vmem>> -> memref<1x1x128xi32, #tpu.memory_space<vmem>>
    %dma_wait3A_327 = tpu.memref_squeeze %dma_wait3A_326 : memref<1x1x128xi32, #tpu.memory_space<vmem>> -> memref<128xi32, #tpu.memory_space<vmem>>
    %dma_wait3A_328 = arith.constant 0 : i32
    %dma_wait3A_329 = arith.constant 0 : i32
    %dma_wait3A_330 = tpu.memref_slice %arg9[%dma_wait3A_328, %dma_wait3A_329] : memref<51200x16xf32, #tpu.memory_space<vmem_shared>> -> memref<51200x16xf32, #tpu.memory_space<vmem_shared>>
    tpu.wait_indirect_dma semaphore(%arg12 : memref<!tpu.dma_semaphore, #tpu.memory_space<semaphore_mem>>) src(%dma_wait3A_324 : memref<128x16xf32, #tpu.memory_space<vmem>>) dst(%dma_wait3A_330 : memref<51200x16xf32, #tpu.memory_space<vmem_shared>>)
    %dma_wait3A_331 = arith.constant 1 : i32
    %dma_wait3A_332 = arith.constant 1 : i32
    %dma_wait3A_333 = arith.constant 1 : i32
    %dma_wait3A_334 = arith.constant 128 : i32
    %dma_wait3A_335 = arith.constant 0 : i32
    %dma_wait3A_336 = tpu.memref_slice %arg8[%dma_wait3A_331, %dma_wait3A_334, %dma_wait3A_335] : memref<2x1792x16xf32, #tpu.memory_space<vmem>> -> memref<1x128x16xf32, #tpu.memory_space<vmem>>
    %dma_wait3A_337 = tpu.memref_squeeze %dma_wait3A_336 : memref<1x128x16xf32, #tpu.memory_space<vmem>> -> memref<128x16xf32, #tpu.memory_space<vmem>>
    %dma_wait3A_338 = arith.constant 0 : i32
    %dma_wait3A_339 = tpu.memref_slice %arg7[%dma_wait3A_332, %dma_wait3A_333, %dma_wait3A_338] : memref<2x14x128xi32, #tpu.memory_space<vmem>> -> memref<1x1x128xi32, #tpu.memory_space<vmem>>
    %dma_wait3A_340 = tpu.memref_squeeze %dma_wait3A_339 : memref<1x1x128xi32, #tpu.memory_space<vmem>> -> memref<128xi32, #tpu.memory_space<vmem>>
    %dma_wait3A_341 = arith.constant 0 : i32
    %dma_wait3A_342 = arith.constant 0 : i32
    %dma_wait3A_343 = tpu.memref_slice %arg9[%dma_wait3A_341, %dma_wait3A_342] : memref<51200x16xf32, #tpu.memory_space<vmem_shared>> -> memref<51200x16xf32, #tpu.memory_space<vmem_shared>>
    tpu.wait_indirect_dma semaphore(%arg12 : memref<!tpu.dma_semaphore, #tpu.memory_space<semaphore_mem>>) src(%dma_wait3A_337 : memref<128x16xf32, #tpu.memory_space<vmem>>) dst(%dma_wait3A_343 : memref<51200x16xf32, #tpu.memory_space<vmem_shared>>)
    %dma_wait3A_344 = arith.constant 1 : i32
    %dma_wait3A_345 = arith.constant 1 : i32
    %dma_wait3A_346 = arith.constant 2 : i32
    %dma_wait3A_347 = arith.constant 256 : i32
    %dma_wait3A_348 = arith.constant 0 : i32
    %dma_wait3A_349 = tpu.memref_slice %arg8[%dma_wait3A_344, %dma_wait3A_347, %dma_wait3A_348] : memref<2x1792x16xf32, #tpu.memory_space<vmem>> -> memref<1x128x16xf32, #tpu.memory_space<vmem>>
    %dma_wait3A_350 = tpu.memref_squeeze %dma_wait3A_349 : memref<1x128x16xf32, #tpu.memory_space<vmem>> -> memref<128x16xf32, #tpu.memory_space<vmem>>
    %dma_wait3A_351 = arith.constant 0 : i32
    %dma_wait3A_352 = tpu.memref_slice %arg7[%dma_wait3A_345, %dma_wait3A_346, %dma_wait3A_351] : memref<2x14x128xi32, #tpu.memory_space<vmem>> -> memref<1x1x128xi32, #tpu.memory_space<vmem>>
    %dma_wait3A_353 = tpu.memref_squeeze %dma_wait3A_352 : memref<1x1x128xi32, #tpu.memory_space<vmem>> -> memref<128xi32, #tpu.memory_space<vmem>>
    %dma_wait3A_354 = arith.constant 0 : i32
    %dma_wait3A_355 = arith.constant 0 : i32
    %dma_wait3A_356 = tpu.memref_slice %arg9[%dma_wait3A_354, %dma_wait3A_355] : memref<51200x16xf32, #tpu.memory_space<vmem_shared>> -> memref<51200x16xf32, #tpu.memory_space<vmem_shared>>
    tpu.wait_indirect_dma semaphore(%arg12 : memref<!tpu.dma_semaphore, #tpu.memory_space<semaphore_mem>>) src(%dma_wait3A_350 : memref<128x16xf32, #tpu.memory_space<vmem>>) dst(%dma_wait3A_356 : memref<51200x16xf32, #tpu.memory_space<vmem_shared>>)
    %dma_wait3A_357 = arith.constant 1 : i32
    %dma_wait3A_358 = arith.constant 1 : i32
    %dma_wait3A_359 = arith.constant 3 : i32
    %dma_wait3A_360 = arith.constant 384 : i32
    %dma_wait3A_361 = arith.constant 0 : i32
    %dma_wait3A_362 = tpu.memref_slice %arg8[%dma_wait3A_357, %dma_wait3A_360, %dma_wait3A_361] : memref<2x1792x16xf32, #tpu.memory_space<vmem>> -> memref<1x128x16xf32, #tpu.memory_space<vmem>>
    %dma_wait3A_363 = tpu.memref_squeeze %dma_wait3A_362 : memref<1x128x16xf32, #tpu.memory_space<vmem>> -> memref<128x16xf32, #tpu.memory_space<vmem>>
    %dma_wait3A_364 = arith.constant 0 : i32
    %dma_wait3A_365 = tpu.memref_slice %arg7[%dma_wait3A_358, %dma_wait3A_359, %dma_wait3A_364] : memref<2x14x128xi32, #tpu.memory_space<vmem>> -> memref<1x1x128xi32, #tpu.memory_space<vmem>>
    %dma_wait3A_366 = tpu.memref_squeeze %dma_wait3A_365 : memref<1x1x128xi32, #tpu.memory_space<vmem>> -> memref<128xi32, #tpu.memory_space<vmem>>
    %dma_wait3A_367 = arith.constant 0 : i32
    %dma_wait3A_368 = arith.constant 0 : i32
    %dma_wait3A_369 = tpu.memref_slice %arg9[%dma_wait3A_367, %dma_wait3A_368] : memref<51200x16xf32, #tpu.memory_space<vmem_shared>> -> memref<51200x16xf32, #tpu.memory_space<vmem_shared>>
    tpu.wait_indirect_dma semaphore(%arg12 : memref<!tpu.dma_semaphore, #tpu.memory_space<semaphore_mem>>) src(%dma_wait3A_363 : memref<128x16xf32, #tpu.memory_space<vmem>>) dst(%dma_wait3A_369 : memref<51200x16xf32, #tpu.memory_space<vmem_shared>>)
    %dma_wait3A_370 = arith.constant 1 : i32
    %dma_wait3A_371 = arith.constant 1 : i32
    %dma_wait3A_372 = arith.constant 4 : i32
    %dma_wait3A_373 = arith.constant 512 : i32
    %dma_wait3A_374 = arith.constant 0 : i32
    %dma_wait3A_375 = tpu.memref_slice %arg8[%dma_wait3A_370, %dma_wait3A_373, %dma_wait3A_374] : memref<2x1792x16xf32, #tpu.memory_space<vmem>> -> memref<1x128x16xf32, #tpu.memory_space<vmem>>
    %dma_wait3A_376 = tpu.memref_squeeze %dma_wait3A_375 : memref<1x128x16xf32, #tpu.memory_space<vmem>> -> memref<128x16xf32, #tpu.memory_space<vmem>>
    %dma_wait3A_377 = arith.constant 0 : i32
    %dma_wait3A_378 = tpu.memref_slice %arg7[%dma_wait3A_371, %dma_wait3A_372, %dma_wait3A_377] : memref<2x14x128xi32, #tpu.memory_space<vmem>> -> memref<1x1x128xi32, #tpu.memory_space<vmem>>
    %dma_wait3A_379 = tpu.memref_squeeze %dma_wait3A_378 : memref<1x1x128xi32, #tpu.memory_space<vmem>> -> memref<128xi32, #tpu.memory_space<vmem>>
    %dma_wait3A_380 = arith.constant 0 : i32
    %dma_wait3A_381 = arith.constant 0 : i32
    %dma_wait3A_382 = tpu.memref_slice %arg9[%dma_wait3A_380, %dma_wait3A_381] : memref<51200x16xf32, #tpu.memory_space<vmem_shared>> -> memref<51200x16xf32, #tpu.memory_space<vmem_shared>>
    tpu.wait_indirect_dma semaphore(%arg12 : memref<!tpu.dma_semaphore, #tpu.memory_space<semaphore_mem>>) src(%dma_wait3A_376 : memref<128x16xf32, #tpu.memory_space<vmem>>) dst(%dma_wait3A_382 : memref<51200x16xf32, #tpu.memory_space<vmem_shared>>)
    %dma_wait3A_383 = arith.constant 1 : i32
    %dma_wait3A_384 = arith.constant 1 : i32
    %dma_wait3A_385 = arith.constant 5 : i32
    %dma_wait3A_386 = arith.constant 640 : i32
    %dma_wait3A_387 = arith.constant 0 : i32
    %dma_wait3A_388 = tpu.memref_slice %arg8[%dma_wait3A_383, %dma_wait3A_386, %dma_wait3A_387] : memref<2x1792x16xf32, #tpu.memory_space<vmem>> -> memref<1x128x16xf32, #tpu.memory_space<vmem>>
    %dma_wait3A_389 = tpu.memref_squeeze %dma_wait3A_388 : memref<1x128x16xf32, #tpu.memory_space<vmem>> -> memref<128x16xf32, #tpu.memory_space<vmem>>
    %dma_wait3A_390 = arith.constant 0 : i32
    %dma_wait3A_391 = tpu.memref_slice %arg7[%dma_wait3A_384, %dma_wait3A_385, %dma_wait3A_390] : memref<2x14x128xi32, #tpu.memory_space<vmem>> -> memref<1x1x128xi32, #tpu.memory_space<vmem>>
    %dma_wait3A_392 = tpu.memref_squeeze %dma_wait3A_391 : memref<1x1x128xi32, #tpu.memory_space<vmem>> -> memref<128xi32, #tpu.memory_space<vmem>>
    %dma_wait3A_393 = arith.constant 0 : i32
    %dma_wait3A_394 = arith.constant 0 : i32
    %dma_wait3A_395 = tpu.memref_slice %arg9[%dma_wait3A_393, %dma_wait3A_394] : memref<51200x16xf32, #tpu.memory_space<vmem_shared>> -> memref<51200x16xf32, #tpu.memory_space<vmem_shared>>
    tpu.wait_indirect_dma semaphore(%arg12 : memref<!tpu.dma_semaphore, #tpu.memory_space<semaphore_mem>>) src(%dma_wait3A_389 : memref<128x16xf32, #tpu.memory_space<vmem>>) dst(%dma_wait3A_395 : memref<51200x16xf32, #tpu.memory_space<vmem_shared>>)
    %dma_wait3A_396 = arith.constant 1 : i32
    %dma_wait3A_397 = arith.constant 1 : i32
    %dma_wait3A_398 = arith.constant 6 : i32
    %dma_wait3A_399 = arith.constant 768 : i32
    %dma_wait3A_400 = arith.constant 0 : i32
    %dma_wait3A_401 = tpu.memref_slice %arg8[%dma_wait3A_396, %dma_wait3A_399, %dma_wait3A_400] : memref<2x1792x16xf32, #tpu.memory_space<vmem>> -> memref<1x128x16xf32, #tpu.memory_space<vmem>>
    %dma_wait3A_402 = tpu.memref_squeeze %dma_wait3A_401 : memref<1x128x16xf32, #tpu.memory_space<vmem>> -> memref<128x16xf32, #tpu.memory_space<vmem>>
    %dma_wait3A_403 = arith.constant 0 : i32
    %dma_wait3A_404 = tpu.memref_slice %arg7[%dma_wait3A_397, %dma_wait3A_398, %dma_wait3A_403] : memref<2x14x128xi32, #tpu.memory_space<vmem>> -> memref<1x1x128xi32, #tpu.memory_space<vmem>>
    %dma_wait3A_405 = tpu.memref_squeeze %dma_wait3A_404 : memref<1x1x128xi32, #tpu.memory_space<vmem>> -> memref<128xi32, #tpu.memory_space<vmem>>
    %dma_wait3A_406 = arith.constant 0 : i32
    %dma_wait3A_407 = arith.constant 0 : i32
    %dma_wait3A_408 = tpu.memref_slice %arg9[%dma_wait3A_406, %dma_wait3A_407] : memref<51200x16xf32, #tpu.memory_space<vmem_shared>> -> memref<51200x16xf32, #tpu.memory_space<vmem_shared>>
    tpu.wait_indirect_dma semaphore(%arg12 : memref<!tpu.dma_semaphore, #tpu.memory_space<semaphore_mem>>) src(%dma_wait3A_402 : memref<128x16xf32, #tpu.memory_space<vmem>>) dst(%dma_wait3A_408 : memref<51200x16xf32, #tpu.memory_space<vmem_shared>>)
    %dma_wait3A_409 = arith.constant 1 : i32
    %dma_wait3A_410 = arith.constant 1 : i32
    %dma_wait3A_411 = arith.constant 7 : i32
    %dma_wait3A_412 = arith.constant 896 : i32
    %dma_wait3A_413 = arith.constant 0 : i32
    %dma_wait3A_414 = tpu.memref_slice %arg8[%dma_wait3A_409, %dma_wait3A_412, %dma_wait3A_413] : memref<2x1792x16xf32, #tpu.memory_space<vmem>> -> memref<1x128x16xf32, #tpu.memory_space<vmem>>
    %dma_wait3A_415 = tpu.memref_squeeze %dma_wait3A_414 : memref<1x128x16xf32, #tpu.memory_space<vmem>> -> memref<128x16xf32, #tpu.memory_space<vmem>>
    %dma_wait3A_416 = arith.constant 0 : i32
    %dma_wait3A_417 = tpu.memref_slice %arg7[%dma_wait3A_410, %dma_wait3A_411, %dma_wait3A_416] : memref<2x14x128xi32, #tpu.memory_space<vmem>> -> memref<1x1x128xi32, #tpu.memory_space<vmem>>
    %dma_wait3A_418 = tpu.memref_squeeze %dma_wait3A_417 : memref<1x1x128xi32, #tpu.memory_space<vmem>> -> memref<128xi32, #tpu.memory_space<vmem>>
    %dma_wait3A_419 = arith.constant 0 : i32
    %dma_wait3A_420 = arith.constant 0 : i32
    %dma_wait3A_421 = tpu.memref_slice %arg9[%dma_wait3A_419, %dma_wait3A_420] : memref<51200x16xf32, #tpu.memory_space<vmem_shared>> -> memref<51200x16xf32, #tpu.memory_space<vmem_shared>>
    tpu.wait_indirect_dma semaphore(%arg12 : memref<!tpu.dma_semaphore, #tpu.memory_space<semaphore_mem>>) src(%dma_wait3A_415 : memref<128x16xf32, #tpu.memory_space<vmem>>) dst(%dma_wait3A_421 : memref<51200x16xf32, #tpu.memory_space<vmem_shared>>)
    %dma_wait3A_422 = arith.constant 1 : i32
    %dma_wait3A_423 = arith.constant 1 : i32
    %dma_wait3A_424 = arith.constant 8 : i32
    %dma_wait3A_425 = arith.constant 1024 : i32
    %dma_wait3A_426 = arith.constant 0 : i32
    %dma_wait3A_427 = tpu.memref_slice %arg8[%dma_wait3A_422, %dma_wait3A_425, %dma_wait3A_426] : memref<2x1792x16xf32, #tpu.memory_space<vmem>> -> memref<1x128x16xf32, #tpu.memory_space<vmem>>
    %dma_wait3A_428 = tpu.memref_squeeze %dma_wait3A_427 : memref<1x128x16xf32, #tpu.memory_space<vmem>> -> memref<128x16xf32, #tpu.memory_space<vmem>>
    %dma_wait3A_429 = arith.constant 0 : i32
    %dma_wait3A_430 = tpu.memref_slice %arg7[%dma_wait3A_423, %dma_wait3A_424, %dma_wait3A_429] : memref<2x14x128xi32, #tpu.memory_space<vmem>> -> memref<1x1x128xi32, #tpu.memory_space<vmem>>
    %dma_wait3A_431 = tpu.memref_squeeze %dma_wait3A_430 : memref<1x1x128xi32, #tpu.memory_space<vmem>> -> memref<128xi32, #tpu.memory_space<vmem>>
    %dma_wait3A_432 = arith.constant 0 : i32
    %dma_wait3A_433 = arith.constant 0 : i32
    %dma_wait3A_434 = tpu.memref_slice %arg9[%dma_wait3A_432, %dma_wait3A_433] : memref<51200x16xf32, #tpu.memory_space<vmem_shared>> -> memref<51200x16xf32, #tpu.memory_space<vmem_shared>>
    tpu.wait_indirect_dma semaphore(%arg12 : memref<!tpu.dma_semaphore, #tpu.memory_space<semaphore_mem>>) src(%dma_wait3A_428 : memref<128x16xf32, #tpu.memory_space<vmem>>) dst(%dma_wait3A_434 : memref<51200x16xf32, #tpu.memory_space<vmem_shared>>)
    %dma_wait3A_435 = arith.constant 1 : i32
    %dma_wait3A_436 = arith.constant 1 : i32
    %dma_wait3A_437 = arith.constant 9 : i32
    %dma_wait3A_438 = arith.constant 1152 : i32
    %dma_wait3A_439 = arith.constant 0 : i32
    %dma_wait3A_440 = tpu.memref_slice %arg8[%dma_wait3A_435, %dma_wait3A_438, %dma_wait3A_439] : memref<2x1792x16xf32, #tpu.memory_space<vmem>> -> memref<1x128x16xf32, #tpu.memory_space<vmem>>
    %dma_wait3A_441 = tpu.memref_squeeze %dma_wait3A_440 : memref<1x128x16xf32, #tpu.memory_space<vmem>> -> memref<128x16xf32, #tpu.memory_space<vmem>>
    %dma_wait3A_442 = arith.constant 0 : i32
    %dma_wait3A_443 = tpu.memref_slice %arg7[%dma_wait3A_436, %dma_wait3A_437, %dma_wait3A_442] : memref<2x14x128xi32, #tpu.memory_space<vmem>> -> memref<1x1x128xi32, #tpu.memory_space<vmem>>
    %dma_wait3A_444 = tpu.memref_squeeze %dma_wait3A_443 : memref<1x1x128xi32, #tpu.memory_space<vmem>> -> memref<128xi32, #tpu.memory_space<vmem>>
    %dma_wait3A_445 = arith.constant 0 : i32
    %dma_wait3A_446 = arith.constant 0 : i32
    %dma_wait3A_447 = tpu.memref_slice %arg9[%dma_wait3A_445, %dma_wait3A_446] : memref<51200x16xf32, #tpu.memory_space<vmem_shared>> -> memref<51200x16xf32, #tpu.memory_space<vmem_shared>>
    tpu.wait_indirect_dma semaphore(%arg12 : memref<!tpu.dma_semaphore, #tpu.memory_space<semaphore_mem>>) src(%dma_wait3A_441 : memref<128x16xf32, #tpu.memory_space<vmem>>) dst(%dma_wait3A_447 : memref<51200x16xf32, #tpu.memory_space<vmem_shared>>)
    %dma_wait3A_448 = arith.constant 1 : i32
    %dma_wait3A_449 = arith.constant 1 : i32
    %dma_wait3A_450 = arith.constant 10 : i32
    %dma_wait3A_451 = arith.constant 1280 : i32
    %dma_wait3A_452 = arith.constant 0 : i32
    %dma_wait3A_453 = tpu.memref_slice %arg8[%dma_wait3A_448, %dma_wait3A_451, %dma_wait3A_452] : memref<2x1792x16xf32, #tpu.memory_space<vmem>> -> memref<1x128x16xf32, #tpu.memory_space<vmem>>
    %dma_wait3A_454 = tpu.memref_squeeze %dma_wait3A_453 : memref<1x128x16xf32, #tpu.memory_space<vmem>> -> memref<128x16xf32, #tpu.memory_space<vmem>>
    %dma_wait3A_455 = arith.constant 0 : i32
    %dma_wait3A_456 = tpu.memref_slice %arg7[%dma_wait3A_449, %dma_wait3A_450, %dma_wait3A_455] : memref<2x14x128xi32, #tpu.memory_space<vmem>> -> memref<1x1x128xi32, #tpu.memory_space<vmem>>
    %dma_wait3A_457 = tpu.memref_squeeze %dma_wait3A_456 : memref<1x1x128xi32, #tpu.memory_space<vmem>> -> memref<128xi32, #tpu.memory_space<vmem>>
    %dma_wait3A_458 = arith.constant 0 : i32
    %dma_wait3A_459 = arith.constant 0 : i32
    %dma_wait3A_460 = tpu.memref_slice %arg9[%dma_wait3A_458, %dma_wait3A_459] : memref<51200x16xf32, #tpu.memory_space<vmem_shared>> -> memref<51200x16xf32, #tpu.memory_space<vmem_shared>>
    tpu.wait_indirect_dma semaphore(%arg12 : memref<!tpu.dma_semaphore, #tpu.memory_space<semaphore_mem>>) src(%dma_wait3A_454 : memref<128x16xf32, #tpu.memory_space<vmem>>) dst(%dma_wait3A_460 : memref<51200x16xf32, #tpu.memory_space<vmem_shared>>)
    %dma_wait3A_461 = arith.constant 1 : i32
    %dma_wait3A_462 = arith.constant 1 : i32
    %dma_wait3A_463 = arith.constant 11 : i32
    %dma_wait3A_464 = arith.constant 1408 : i32
    %dma_wait3A_465 = arith.constant 0 : i32
    %dma_wait3A_466 = tpu.memref_slice %arg8[%dma_wait3A_461, %dma_wait3A_464, %dma_wait3A_465] : memref<2x1792x16xf32, #tpu.memory_space<vmem>> -> memref<1x128x16xf32, #tpu.memory_space<vmem>>
    %dma_wait3A_467 = tpu.memref_squeeze %dma_wait3A_466 : memref<1x128x16xf32, #tpu.memory_space<vmem>> -> memref<128x16xf32, #tpu.memory_space<vmem>>
    %dma_wait3A_468 = arith.constant 0 : i32
    %dma_wait3A_469 = tpu.memref_slice %arg7[%dma_wait3A_462, %dma_wait3A_463, %dma_wait3A_468] : memref<2x14x128xi32, #tpu.memory_space<vmem>> -> memref<1x1x128xi32, #tpu.memory_space<vmem>>
    %dma_wait3A_470 = tpu.memref_squeeze %dma_wait3A_469 : memref<1x1x128xi32, #tpu.memory_space<vmem>> -> memref<128xi32, #tpu.memory_space<vmem>>
    %dma_wait3A_471 = arith.constant 0 : i32
    %dma_wait3A_472 = arith.constant 0 : i32
    %dma_wait3A_473 = tpu.memref_slice %arg9[%dma_wait3A_471, %dma_wait3A_472] : memref<51200x16xf32, #tpu.memory_space<vmem_shared>> -> memref<51200x16xf32, #tpu.memory_space<vmem_shared>>
    tpu.wait_indirect_dma semaphore(%arg12 : memref<!tpu.dma_semaphore, #tpu.memory_space<semaphore_mem>>) src(%dma_wait3A_467 : memref<128x16xf32, #tpu.memory_space<vmem>>) dst(%dma_wait3A_473 : memref<51200x16xf32, #tpu.memory_space<vmem_shared>>)
    %dma_wait3A_474 = arith.constant 1 : i32
    %dma_wait3A_475 = arith.constant 1 : i32
    %dma_wait3A_476 = arith.constant 12 : i32
    %dma_wait3A_477 = arith.constant 1536 : i32
    %dma_wait3A_478 = arith.constant 0 : i32
    %dma_wait3A_479 = tpu.memref_slice %arg8[%dma_wait3A_474, %dma_wait3A_477, %dma_wait3A_478] : memref<2x1792x16xf32, #tpu.memory_space<vmem>> -> memref<1x128x16xf32, #tpu.memory_space<vmem>>
    %dma_wait3A_480 = tpu.memref_squeeze %dma_wait3A_479 : memref<1x128x16xf32, #tpu.memory_space<vmem>> -> memref<128x16xf32, #tpu.memory_space<vmem>>
    %dma_wait3A_481 = arith.constant 0 : i32
    %dma_wait3A_482 = tpu.memref_slice %arg7[%dma_wait3A_475, %dma_wait3A_476, %dma_wait3A_481] : memref<2x14x128xi32, #tpu.memory_space<vmem>> -> memref<1x1x128xi32, #tpu.memory_space<vmem>>
    %dma_wait3A_483 = tpu.memref_squeeze %dma_wait3A_482 : memref<1x1x128xi32, #tpu.memory_space<vmem>> -> memref<128xi32, #tpu.memory_space<vmem>>
    %dma_wait3A_484 = arith.constant 0 : i32
    %dma_wait3A_485 = arith.constant 0 : i32
    %dma_wait3A_486 = tpu.memref_slice %arg9[%dma_wait3A_484, %dma_wait3A_485] : memref<51200x16xf32, #tpu.memory_space<vmem_shared>> -> memref<51200x16xf32, #tpu.memory_space<vmem_shared>>
    tpu.wait_indirect_dma semaphore(%arg12 : memref<!tpu.dma_semaphore, #tpu.memory_space<semaphore_mem>>) src(%dma_wait3A_480 : memref<128x16xf32, #tpu.memory_space<vmem>>) dst(%dma_wait3A_486 : memref<51200x16xf32, #tpu.memory_space<vmem_shared>>)
    %dma_wait3A_487 = arith.constant 1 : i32
    %dma_wait3A_488 = arith.constant 1 : i32
    %dma_wait3A_489 = arith.constant 13 : i32
    %dma_wait3A_490 = arith.constant 1664 : i32
    %dma_wait3A_491 = arith.constant 0 : i32
    %dma_wait3A_492 = tpu.memref_slice %arg8[%dma_wait3A_487, %dma_wait3A_490, %dma_wait3A_491] : memref<2x1792x16xf32, #tpu.memory_space<vmem>> -> memref<1x128x16xf32, #tpu.memory_space<vmem>>
    %dma_wait3A_493 = tpu.memref_squeeze %dma_wait3A_492 : memref<1x128x16xf32, #tpu.memory_space<vmem>> -> memref<128x16xf32, #tpu.memory_space<vmem>>
    %dma_wait3A_494 = arith.constant 0 : i32
    %dma_wait3A_495 = tpu.memref_slice %arg7[%dma_wait3A_488, %dma_wait3A_489, %dma_wait3A_494] : memref<2x14x128xi32, #tpu.memory_space<vmem>> -> memref<1x1x128xi32, #tpu.memory_space<vmem>>
    %dma_wait3A_496 = tpu.memref_squeeze %dma_wait3A_495 : memref<1x1x128xi32, #tpu.memory_space<vmem>> -> memref<128xi32, #tpu.memory_space<vmem>>
    %dma_wait3A_497 = arith.constant 0 : i32
    %dma_wait3A_498 = arith.constant 0 : i32
    %dma_wait3A_499 = tpu.memref_slice %arg9[%dma_wait3A_497, %dma_wait3A_498] : memref<51200x16xf32, #tpu.memory_space<vmem_shared>> -> memref<51200x16xf32, #tpu.memory_space<vmem_shared>>
    tpu.wait_indirect_dma semaphore(%arg12 : memref<!tpu.dma_semaphore, #tpu.memory_space<semaphore_mem>>) src(%dma_wait3A_493 : memref<128x16xf32, #tpu.memory_space<vmem>>) dst(%dma_wait3A_499 : memref<51200x16xf32, #tpu.memory_space<vmem_shared>>)
    %barrier3A_500 = arith.constant 0 : index
    tpu.barrier barrier_id(%barrier3A_500)
    %mul3A_501 = arith.constant 3200 : i32
    %mul3A_502 = arith.muli %arg1, %mul3A_501 : i32
    "tpu.region"() ({
      %run_scoped3A = tpu.sem_alloc : memref<!tpu.dma_semaphore, #tpu.memory_space<semaphore_mem>>
      %dma_start3A_503 = arith.constant 0 : i32
      %dma_start3A_504 = tpu.memref_slice %arg5[%arg0, %mul3A_502, %dma_start3A_503] : memref<2x51200x16xf32, #tpu.memory_space<hbm>> -> memref<1x3200x16xf32, #tpu.memory_space<hbm>>
      %dma_start3A_505 = tpu.memref_squeeze %dma_start3A_504 : memref<1x3200x16xf32, #tpu.memory_space<hbm>> -> memref<3200x16xf32, #tpu.memory_space<hbm>>
      %dma_start3A_506 = arith.constant 0 : i32
      %dma_start3A_507 = tpu.memref_slice %arg9[%mul3A_502, %dma_start3A_506] : memref<51200x16xf32, #tpu.memory_space<vmem_shared>> -> memref<3200x16xf32, #tpu.memory_space<vmem_shared>>
      tpu.enqueue_dma source(%dma_start3A_507 : memref<3200x16xf32, #tpu.memory_space<vmem_shared>>) target(%dma_start3A_505 : memref<3200x16xf32, #tpu.memory_space<hbm>>) target_semaphore(%run_scoped3A : memref<!tpu.dma_semaphore, #tpu.memory_space<semaphore_mem>>)
      %dma_wait3A_508 = arith.constant 0 : i32
      %dma_wait3A_509 = tpu.memref_slice %arg5[%arg0, %mul3A_502, %dma_wait3A_508] : memref<2x51200x16xf32, #tpu.memory_space<hbm>> -> memref<1x3200x16xf32, #tpu.memory_space<hbm>>
      %dma_wait3A_510 = tpu.memref_squeeze %dma_wait3A_509 : memref<1x3200x16xf32, #tpu.memory_space<hbm>> -> memref<3200x16xf32, #tpu.memory_space<hbm>>
      %dma_wait3A_511 = arith.constant 0 : i32
      %dma_wait3A_512 = tpu.memref_slice %arg9[%mul3A_502, %dma_wait3A_511] : memref<51200x16xf32, #tpu.memory_space<vmem_shared>> -> memref<3200x16xf32, #tpu.memory_space<vmem_shared>>
      tpu.wait_dma2 semaphore(%run_scoped3A : memref<!tpu.dma_semaphore, #tpu.memory_space<semaphore_mem>>) src(%dma_wait3A_512 : memref<3200x16xf32, #tpu.memory_space<vmem_shared>>) dst(%dma_wait3A_510 : memref<3200x16xf32, #tpu.memory_space<hbm>>)
      tpu.yield
    }) : () -> ()
    return
  }
}

module attributes {stable_mosaic.version = 14 : i64} {
  func.func @_ytab_body(%arg0: i32, %arg1: i32, %arg2: memref<896x128xf32, #tpu.memory_space<vmem>>, %arg3: memref<1x128x128xf32, #tpu.memory_space<vmem>>, %arg4: memref<896x128xf32, #tpu.memory_space<vmem>>) attributes {dimension_semantics = [#tpu.dimension_semantics<arbitrary>, #tpu.dimension_semantics<arbitrary>], iteration_bounds = array<i64: 7, 8>, scalar_prefetch = 0 : i64, scratch_operands = 0 : i64, tpu.core_type = #tpu.core_type<tc>, window_params = [{transform_indices = @transform_0, window_bounds = array<i64: 896, 128>}, {transform_indices = @transform_1, window_bounds = array<i64: 1, 128, 128>}, {transform_indices = @transform_2, window_bounds = array<i64: 896, 128>}]} {
    %get3A = arith.constant 0 : index
    %get3A_0 = arith.constant 0 : index
    %get3A_1 = vector.load %arg2[%get3A, %get3A_0] : memref<896x128xf32, #tpu.memory_space<vmem>>, vector<896x128xf32>
    %get3A_2 = arith.constant 0 : index
    %get3A_3 = arith.constant 0 : index
    %get3A_4 = arith.constant 0 : index
    %get3A_5 = vector.load %arg3[%get3A_2, %get3A_3, %get3A_4] : memref<1x128x128xf32, #tpu.memory_space<vmem>>, vector<1x128x128xf32>
    %get3A_6 = vector.shape_cast %get3A_5 : vector<1x128x128xf32> to vector<128x128xf32>
    %dot_general3A = arith.constant dense<0.000000e+00> : vector<896x128xf32>
    %dot_general3A_7 = tpu.matmul %get3A_1, %get3A_6, %dot_general3A {dimension_numbers = #tpu.dot_dimension_numbers<[1], [0], [0], [1], [0, 0, 1, 1], [], []>, transpose_lhs_hint = false} : vector<896x128xf32>, vector<128x128xf32>, vector<896x128xf32> -> vector<896x128xf32>
    %swap3A = arith.constant 0 : index
    %swap3A_8 = arith.constant 0 : index
    %swap3A_9 = vector.load %arg4[%swap3A, %swap3A_8] : memref<896x128xf32, #tpu.memory_space<vmem>>, vector<896x128xf32>
    tpu.vector_store %arg4[%swap3A, %swap3A_8], %dot_general3A_7 {strides = array<i32>} : memref<896x128xf32, #tpu.memory_space<vmem>>, vector<896x128xf32>,
    return
  }
  func.func @transform_0(%arg0: i32, %arg1: i32) -> (i32, i32) {
    %c0_i32 = arith.constant 0 : i32
    %c0_i32_0 = arith.constant 0 : i32
    return %arg0, %c0_i32 : i32, i32
  }
  func.func @transform_1(%arg0: i32, %arg1: i32) -> (i32, i32, i32) {
    %c0_i32 = arith.constant 0 : i32
    %c0_i32_0 = arith.constant 0 : i32
    %c0_i32_1 = arith.constant 0 : i32
    return %arg1, %c0_i32, %c0_i32_0 : i32, i32, i32
  }
  func.func @transform_2(%arg0: i32, %arg1: i32) -> (i32, i32) {
    %mul3A = arith.constant 7 : i32
    %mul3A_0 = arith.muli %arg1, %mul3A : i32
    %add3A = arith.addi %mul3A_0, %arg0 : i32
    %c0_i32 = arith.constant 0 : i32
    %c0_i32_1 = arith.constant 0 : i32
    return %add3A, %c0_i32 : i32, i32
  }
}

module attributes {stable_mosaic.version = 14 : i64} {
  func.func @_gidx_body(%arg0: i32, %arg1: memref<784x128xi32, #tpu.memory_space<vmem>>, %arg2: memref<784x128xi32, #tpu.memory_space<vmem>>, %arg3: memref<784x128xi32, #tpu.memory_space<vmem>>) attributes {dimension_semantics = [#tpu.dimension_semantics<arbitrary>], iteration_bounds = array<i64: 8>, scalar_prefetch = 0 : i64, scratch_operands = 0 : i64, tpu.core_type = #tpu.core_type<tc>, window_params = [{transform_indices = @transform_0, window_bounds = array<i64: 784, 128>}, {transform_indices = @transform_1, window_bounds = array<i64: 784, 128>}, {transform_indices = @transform_2, window_bounds = array<i64: 784, 128>}]} {
    %get3A = arith.constant 0 : index
    %get3A_0 = arith.constant 0 : index
    %get3A_1 = vector.load %arg2[%get3A, %get3A_0] : memref<784x128xi32, #tpu.memory_space<vmem>>, vector<784x128xi32>
    %mul3A = arith.constant 50176 : i32
    %mul3A_2 = vector.broadcast %mul3A : i32 to vector<784x128xi32>
    %mul3A_3 = arith.muli %get3A_1, %mul3A_2 : vector<784x128xi32>
    %get3A_4 = arith.constant 0 : index
    %get3A_5 = arith.constant 0 : index
    %get3A_6 = vector.load %arg1[%get3A_4, %get3A_5] : memref<784x128xi32, #tpu.memory_space<vmem>>, vector<784x128xi32>
    %add3A = arith.addi %mul3A_3, %get3A_6 : vector<784x128xi32>
    %swap3A = arith.constant 0 : index
    %swap3A_7 = arith.constant 0 : index
    %swap3A_8 = vector.load %arg3[%swap3A, %swap3A_7] : memref<784x128xi32, #tpu.memory_space<vmem>>, vector<784x128xi32>
    tpu.vector_store %arg3[%swap3A, %swap3A_7], %add3A {strides = array<i32>} : memref<784x128xi32, #tpu.memory_space<vmem>>, vector<784x128xi32>,
    return
  }
  func.func @transform_0(%arg0: i32) -> (i32, i32) {
    %c0_i32 = arith.constant 0 : i32
    %c0_i32_0 = arith.constant 0 : i32
    return %arg0, %c0_i32 : i32, i32
  }
  func.func @transform_1(%arg0: i32) -> (i32, i32) {
    %c0_i32 = arith.constant 0 : i32
    %c0_i32_0 = arith.constant 0 : i32
    return %arg0, %c0_i32 : i32, i32
  }
  func.func @transform_2(%arg0: i32) -> (i32, i32) {
    %c0_i32 = arith.constant 0 : i32
    %c0_i32_0 = arith.constant 0 : i32
    return %arg0, %c0_i32 : i32, i32
  }
}

module attributes {stable_mosaic.version = 14 : i64} {
  func.func @_gru_body(%arg0: i32, %arg1: memref<2x896x128xf32, #tpu.memory_space<vmem>>, %arg2: memref<896x128xf32, #tpu.memory_space<vmem>>, %arg3: memref<7x128x128xf32, #tpu.memory_space<vmem>>, %arg4: memref<5x1x128xf32, #tpu.memory_space<vmem>>, %arg5: memref<896x128xf32, #tpu.memory_space<vmem>>) attributes {dimension_semantics = [#tpu.dimension_semantics<arbitrary>], iteration_bounds = array<i64: 7>, scalar_prefetch = 0 : i64, scratch_operands = 0 : i64, tpu.core_type = #tpu.core_type<tc>, window_params = [{transform_indices = @transform_0, window_bounds = array<i64: 2, 896, 128>}, {transform_indices = @transform_1, window_bounds = array<i64: 896, 128>}, {pipeline_mode = #tpu.pipeline_mode<synchronous>, transform_indices = @transform_2, window_bounds = array<i64: 7, 128, 128>}, {pipeline_mode = #tpu.pipeline_mode<synchronous>, transform_indices = @transform_3, window_bounds = array<i64: 5, 1, 128>}, {transform_indices = @transform_4, window_bounds = array<i64: 896, 128>}]} {
    %get3A = arith.constant 0 : index
    %get3A_0 = arith.constant 0 : index
    %get3A_1 = arith.constant 0 : index
    %get3A_2 = vector.load %arg1[%get3A, %get3A_0, %get3A_1] : memref<2x896x128xf32, #tpu.memory_space<vmem>>, vector<1x896x128xf32>
    %get3A_3 = vector.shape_cast %get3A_2 : vector<1x896x128xf32> to vector<896x128xf32>
    %get3A_4 = arith.constant 1 : index
    %get3A_5 = arith.constant 0 : index
    %get3A_6 = arith.constant 0 : index
    %get3A_7 = vector.load %arg1[%get3A_4, %get3A_5, %get3A_6] : memref<2x896x128xf32, #tpu.memory_space<vmem>>, vector<1x896x128xf32>
    %get3A_8 = vector.shape_cast %get3A_7 : vector<1x896x128xf32> to vector<896x128xf32>
    %add3A = arith.addf %get3A_3, %get3A_8 : vector<896x128xf32>
    %get3A_9 = arith.constant 0 : index
    %get3A_10 = arith.constant 0 : index
    %get3A_11 = vector.load %arg2[%get3A_9, %get3A_10] : memref<896x128xf32, #tpu.memory_space<vmem>>, vector<896x128xf32>
    %get3A_12 = arith.constant 0 : index
    %get3A_13 = arith.constant 0 : index
    %get3A_14 = arith.constant 0 : index
    %get3A_15 = vector.load %arg3[%get3A_12, %get3A_13, %get3A_14] : memref<7x128x128xf32, #tpu.memory_space<vmem>>, vector<1x128x128xf32>
    %get3A_16 = vector.shape_cast %get3A_15 : vector<1x128x128xf32> to vector<128x128xf32>
    %dot_general3A = arith.constant dense<0.000000e+00> : vector<896x128xf32>
    %dot_general3A_17 = tpu.matmul %add3A, %get3A_16, %dot_general3A {dimension_numbers = #tpu.dot_dimension_numbers<[1], [0], [0], [1], [0, 0, 1, 1], [], []>, transpose_lhs_hint = false} : vector<896x128xf32>, vector<128x128xf32>, vector<896x128xf32> -> vector<896x128xf32>
    %get3A_18 = arith.constant 3 : index
    %get3A_19 = arith.constant 0 : index
    %get3A_20 = arith.constant 0 : index
    %get3A_21 = vector.load %arg3[%get3A_18, %get3A_19, %get3A_20] : memref<7x128x128xf32, #tpu.memory_space<vmem>>, vector<1x128x128xf32>
    %get3A_22 = vector.shape_cast %get3A_21 : vector<1x128x128xf32> to vector<128x128xf32>
    %dot_general3A_23 = arith.constant dense<0.000000e+00> : vector<896x128xf32>
    %dot_general3A_24 = tpu.matmul %get3A_11, %get3A_22, %dot_general3A_23 {dimension_numbers = #tpu.dot_dimension_numbers<[1], [0], [0], [1], [0, 0, 1, 1], [], []>, transpose_lhs_hint = false} : vector<896x128xf32>, vector<128x128xf32>, vector<896x128xf32> -> vector<896x128xf32>
    %add3A_25 = arith.addf %dot_general3A_17, %dot_general3A_24 : vector<896x128xf32>
    %get3A_26 = arith.constant 0 : index
    %get3A_27 = arith.constant 0 : index
    %get3A_28 = arith.constant 0 : index
    %get3A_29 = vector.load %arg4[%get3A_26, %get3A_27, %get3A_28] : memref<5x1x128xf32, #tpu.memory_space<vmem>>, vector<1x1x128xf32>
    %get3A_30 = vector.shape_cast %get3A_29 : vector<1x1x128xf32> to vector<1x128xf32>
    %add3A_31 = vector.broadcast %get3A_30 : vector<1x128xf32> to vector<896x128xf32>
    %add3A_32 = arith.addf %add3A_25, %add3A_31 : vector<896x128xf32>
    %logistic3A = arith.negf %add3A_32 : vector<896x128xf32>
    %logistic3A_33 = math.exp %logistic3A : vector<896x128xf32>
    %logistic3A_34 = arith.constant 1.000000e+00 : f32
    %logistic3A_35 = vector.broadcast %logistic3A_34 : f32 to vector<896x128xf32>
    %logistic3A_36 = arith.addf %logistic3A_35, %logistic3A_33 : vector<896x128xf32>
    %logistic3A_37 = arith.divf %logistic3A_35, %logistic3A_36 : vector<896x128xf32>
    %get3A_38 = arith.constant 1 : index
    %get3A_39 = arith.constant 0 : index
    %get3A_40 = arith.constant 0 : index
    %get3A_41 = vector.load %arg3[%get3A_38, %get3A_39, %get3A_40] : memref<7x128x128xf32, #tpu.memory_space<vmem>>, vector<1x128x128xf32>
    %get3A_42 = vector.shape_cast %get3A_41 : vector<1x128x128xf32> to vector<128x128xf32>
    %dot_general3A_43 = arith.constant dense<0.000000e+00> : vector<896x128xf32>
    %dot_general3A_44 = tpu.matmul %add3A, %get3A_42, %dot_general3A_43 {dimension_numbers = #tpu.dot_dimension_numbers<[1], [0], [0], [1], [0, 0, 1, 1], [], []>, transpose_lhs_hint = false} : vector<896x128xf32>, vector<128x128xf32>, vector<896x128xf32> -> vector<896x128xf32>
    %get3A_45 = arith.constant 4 : index
    %get3A_46 = arith.constant 0 : index
    %get3A_47 = arith.constant 0 : index
    %get3A_48 = vector.load %arg3[%get3A_45, %get3A_46, %get3A_47] : memref<7x128x128xf32, #tpu.memory_space<vmem>>, vector<1x128x128xf32>
    %get3A_49 = vector.shape_cast %get3A_48 : vector<1x128x128xf32> to vector<128x128xf32>
    %dot_general3A_50 = arith.constant dense<0.000000e+00> : vector<896x128xf32>
    %dot_general3A_51 = tpu.matmul %get3A_11, %get3A_49, %dot_general3A_50 {dimension_numbers = #tpu.dot_dimension_numbers<[1], [0], [0], [1], [0, 0, 1, 1], [], []>, transpose_lhs_hint = false} : vector<896x128xf32>, vector<128x128xf32>, vector<896x128xf32> -> vector<896x128xf32>
    %add3A_52 = arith.addf %dot_general3A_44, %dot_general3A_51 : vector<896x128xf32>
    %get3A_53 = arith.constant 1 : index
    %get3A_54 = arith.constant 0 : index
    %get3A_55 = arith.constant 0 : index
    %get3A_56 = vector.load %arg4[%get3A_53, %get3A_54, %get3A_55] : memref<5x1x128xf32, #tpu.memory_space<vmem>>, vector<1x1x128xf32>
    %get3A_57 = vector.shape_cast %get3A_56 : vector<1x1x128xf32> to vector<1x128xf32>
    %add3A_58 = vector.broadcast %get3A_57 : vector<1x128xf32> to vector<896x128xf32>
    %add3A_59 = arith.addf %add3A_52, %add3A_58 : vector<896x128xf32>
    %logistic3A_60 = arith.negf %add3A_59 : vector<896x128xf32>
    %logistic3A_61 = math.exp %logistic3A_60 : vector<896x128xf32>
    %logistic3A_62 = arith.constant 1.000000e+00 : f32
    %logistic3A_63 = vector.broadcast %logistic3A_62 : f32 to vector<896x128xf32>
    %logistic3A_64 = arith.addf %logistic3A_63, %logistic3A_61 : vector<896x128xf32>
    %logistic3A_65 = arith.divf %logistic3A_63, %logistic3A_64 : vector<896x128xf32>
    %get3A_66 = arith.constant 2 : index
    %get3A_67 = arith.constant 0 : index
    %get3A_68 = arith.constant 0 : index
    %get3A_69 = vector.load %arg3[%get3A_66, %get3A_67, %get3A_68] : memref<7x128x128xf32, #tpu.memory_space<vmem>>, vector<1x128x128xf32>
    %get3A_70 = vector.shape_cast %get3A_69 : vector<1x128x128xf32> to vector<128x128xf32>
    %dot_general3A_71 = arith.constant dense<0.000000e+00> : vector<896x128xf32>
    %dot_general3A_72 = tpu.matmul %add3A, %get3A_70, %dot_general3A_71 {dimension_numbers = #tpu.dot_dimension_numbers<[1], [0], [0], [1], [0, 0, 1, 1], [], []>, transpose_lhs_hint = false} : vector<896x128xf32>, vector<128x128xf32>, vector<896x128xf32> -> vector<896x128xf32>
    %get3A_73 = arith.constant 2 : index
    %get3A_74 = arith.constant 0 : index
    %get3A_75 = arith.constant 0 : index
    %get3A_76 = vector.load %arg4[%get3A_73, %get3A_74, %get3A_75] : memref<5x1x128xf32, #tpu.memory_space<vmem>>, vector<1x1x128xf32>
    %get3A_77 = vector.shape_cast %get3A_76 : vector<1x1x128xf32> to vector<1x128xf32>
    %add3A_78 = vector.broadcast %get3A_77 : vector<1x128xf32> to vector<896x128xf32>
    %add3A_79 = arith.addf %dot_general3A_72, %add3A_78 : vector<896x128xf32>
    %get3A_80 = arith.constant 5 : index
    %get3A_81 = arith.constant 0 : index
    %get3A_82 = arith.constant 0 : index
    %get3A_83 = vector.load %arg3[%get3A_80, %get3A_81, %get3A_82] : memref<7x128x128xf32, #tpu.memory_space<vmem>>, vector<1x128x128xf32>
    %get3A_84 = vector.shape_cast %get3A_83 : vector<1x128x128xf32> to vector<128x128xf32>
    %dot_general3A_85 = arith.constant dense<0.000000e+00> : vector<896x128xf32>
    %dot_general3A_86 = tpu.matmul %get3A_11, %get3A_84, %dot_general3A_85 {dimension_numbers = #tpu.dot_dimension_numbers<[1], [0], [0], [1], [0, 0, 1, 1], [], []>, transpose_lhs_hint = false} : vector<896x128xf32>, vector<128x128xf32>, vector<896x128xf32> -> vector<896x128xf32>
    %get3A_87 = arith.constant 3 : index
    %get3A_88 = arith.constant 0 : index
    %get3A_89 = arith.constant 0 : index
    %get3A_90 = vector.load %arg4[%get3A_87, %get3A_88, %get3A_89] : memref<5x1x128xf32, #tpu.memory_space<vmem>>, vector<1x1x128xf32>
    %get3A_91 = vector.shape_cast %get3A_90 : vector<1x1x128xf32> to vector<1x128xf32>
    %add3A_92 = vector.broadcast %get3A_91 : vector<1x128xf32> to vector<896x128xf32>
    %add3A_93 = arith.addf %dot_general3A_86, %add3A_92 : vector<896x128xf32>
    %mul3A = arith.mulf %logistic3A_37, %add3A_93 : vector<896x128xf32>
    %add3A_94 = arith.addf %add3A_79, %mul3A : vector<896x128xf32>
    %tanh3A = math.tanh %add3A_94 : vector<896x128xf32>
    %sub3A = arith.constant 1.000000e+00 : f32
    %sub3A_95 = vector.broadcast %sub3A : f32 to vector<896x128xf32>
    %sub3A_96 = arith.subf %sub3A_95, %logistic3A_65 : vector<896x128xf32>
    %mul3A_97 = arith.mulf %sub3A_96, %tanh3A : vector<896x128xf32>
    %mul3A_98 = arith.mulf %logistic3A_65, %get3A_11 : vector<896x128xf32>
    %add3A_99 = arith.addf %mul3A_97, %mul3A_98 : vector<896x128xf32>
    %get3A_100 = arith.constant 6 : index
    %get3A_101 = arith.constant 0 : index
    %get3A_102 = arith.constant 0 : index
    %get3A_103 = vector.load %arg3[%get3A_100, %get3A_101, %get3A_102] : memref<7x128x128xf32, #tpu.memory_space<vmem>>, vector<1x128x128xf32>
    %get3A_104 = vector.shape_cast %get3A_103 : vector<1x128x128xf32> to vector<128x128xf32>
    %dot_general3A_105 = arith.constant dense<0.000000e+00> : vector<896x128xf32>
    %dot_general3A_106 = tpu.matmul %add3A_99, %get3A_104, %dot_general3A_105 {dimension_numbers = #tpu.dot_dimension_numbers<[1], [0], [0], [1], [0, 0, 1, 1], [], []>, transpose_lhs_hint = false} : vector<896x128xf32>, vector<128x128xf32>, vector<896x128xf32> -> vector<896x128xf32>
    %get3A_107 = arith.constant 4 : index
    %get3A_108 = arith.constant 0 : index
    %get3A_109 = arith.constant 0 : index
    %get3A_110 = vector.load %arg4[%get3A_107, %get3A_108, %get3A_109] : memref<5x1x128xf32, #tpu.memory_space<vmem>>, vector<1x1x128xf32>
    %get3A_111 = vector.shape_cast %get3A_110 : vector<1x1x128xf32> to vector<1x128xf32>
    %add3A_112 = vector.broadcast %get3A_111 : vector<1x128xf32> to vector<896x128xf32>
    %add3A_113 = arith.addf %dot_general3A_106, %add3A_112 : vector<896x128xf32>
    %swap3A = arith.constant 0 : index
    %swap3A_114 = arith.constant 0 : index
    %swap3A_115 = vector.load %arg5[%swap3A, %swap3A_114] : memref<896x128xf32, #tpu.memory_space<vmem>>, vector<896x128xf32>
    tpu.vector_store %arg5[%swap3A, %swap3A_114], %add3A_113 {strides = array<i32>} : memref<896x128xf32, #tpu.memory_space<vmem>>, vector<896x128xf32>,
    return
  }
  func.func @transform_0(%arg0: i32) -> (i32, i32, i32) {
    %c0_i32 = arith.constant 0 : i32
    %c0_i32_0 = arith.constant 0 : i32
    %c0_i32_1 = arith.constant 0 : i32
    return %c0_i32, %arg0, %c0_i32_0 : i32, i32, i32
  }
  func.func @transform_1(%arg0: i32) -> (i32, i32) {
    %c0_i32 = arith.constant 0 : i32
    %c0_i32_0 = arith.constant 0 : i32
    return %arg0, %c0_i32 : i32, i32
  }
  func.func @transform_2(%arg0: i32) -> (i32, i32, i32) {
    %c0_i32 = arith.constant 0 : i32
    %c0_i32_0 = arith.constant 0 : i32
    %c0_i32_1 = arith.constant 0 : i32
    %c0_i32_2 = arith.constant 0 : i32
    return %c0_i32, %c0_i32_0, %c0_i32_1 : i32, i32, i32
  }
  func.func @transform_3(%arg0: i32) -> (i32, i32, i32) {
    %c0_i32 = arith.constant 0 : i32
    %c0_i32_0 = arith.constant 0 : i32
    %c0_i32_1 = arith.constant 0 : i32
    %c0_i32_2 = arith.constant 0 : i32
    return %c0_i32, %c0_i32_0, %c0_i32_1 : i32, i32, i32
  }
  func.func @transform_4(%arg0: i32) -> (i32, i32) {
    %c0_i32 = arith.constant 0 : i32
    %c0_i32_0 = arith.constant 0 : i32
    return %arg0, %c0_i32 : i32, i32
  }
}

</mosaic_0001>

<sc_bundles>
// kernel: kernel.6.cloned.1.call-start
scs
__scs_entry_jumppad:
0x0: {  	(pc) =	sbr.rel $0x88, $3  }
0x1: {  	(tag) =	ssettag $0x0;
	lr =	simm.s32 $0x1  }
0x2: {  	[smem:$0x3F97] =	sst lr;
	_ =	strace $0xD0000000  }
0x3: {  	_ = 	snop  }
0x4: {  	_ = 	snop  }
0x5: {  	_ = 	snop  }
0x6: {  	_ = 	snop  }
0x7: {  	_ = 	snop  }
__scs_overlays_trampoline_lowered:
0x8: {  	[smem:$0x3FA6] =	sst s0  }
0x9: {  	[smem:$0x3FA7] =	sst s1  }
0xa: {  	[smem:$0x3FA8] =	sst s2  }
0xb: {  	[smem:$0x3FA9] =	sst s3  }
0xc: {  	[smem:$0x3FAA] =	sst s4  }
0xd: {  	[smem:$0x3FAB] =	sst s5  }
0xe: {  	[smem:$0x3FAC] =	sst s6  }
0xf: {  	[smem:$0x3FAD] =	sst s7  }
0x10: {  	[smem:$0x3FAE] =	sst s8  }
0x11: {  	[smem:$0x3FAF] =	sst s9;
	s0 =	simm.s32 @!p0 $0x0  }
0x12: {  	s1 =	sld [smem:$0x3F95];
	s0 =	simm.s32 @p0 $0x1  }
0x13: {  	[smem:$0x3FB0] =	sst s0;
	s0 =	simm.s32 @!p1 $0x0  }
0x14: {  	s2 =	sld [smem:$0x3F94];
	s0 =	simm.s32 @p1 $0x1  }
0x15: {  	[smem:$0x3FB1] =	sst s0;
	s0 =	simm.s32 @!p2 $0x0  }
0x16: {  	s3 =	sld [smem:$0x3FDB];
	s0 =	simm.s32 @p2 $0x1  }
0x17: {  	s4 =	simm.s32 $0x1BF5;
	[smem:$0x3FB3] =	sst s0  }
0x18: {  	s0 =	sld [smem:$0x3F96];
	_ =	swait.ge [sflag:s4], $0x0  }
0x19: {  	s7 =	sld [smem:$0x3F97]  }
0x1a: {  	s8 =	sadd.s32 $0xFFFFE003, lr  }
0x1b: {  	s9 =	sadd.s32 $0xFFFFFEF7, lr;
	s5 =	simm.s32 $0xFFFFFFFF;
	p2 =	slt.u32 s8, $0xFFFFF086  }
0x1c: {  	p1 =	slt.u32 s9, $0xF7A;
	s5 =	simm.s32 @!p2 $0x0  }
0x1d: {  	s5 =	simm.s32 @p1 $0x1;
	p0 =	seq.s32 s7, s2  }
0x1e: {  	s7 =	smul.u32 @!p0 $0xF7A, s2;
	p2 =	seq.s32 @!p0 s5, $0x0  }
0x1f: {  	s9 =	smul.u32 $0xF7A, s1;
	s8 =	simm.s32 @!p0 $0x1BF5;
	p2 =	por !p2, p0  }
0x20: {  	[sflag:s8] =	ssyncset.s32 @!p0 $0xFFFFF086;
	s6 =	sadd.s32 @!p0 s3, s7;
	s7 =	simm.s32 @!p0 $0x108  }
0x21: {  	s3 =	sadd.s32 s3, s9;
	s6 =	sadd.s32 @!p0 $0x88, s6;
	s7 =	simm.s32 @p2 $0x1082  }
0x22: {  	[simem:s7], [sflag:s8] =	dma.local @!p0 [hbm:s6], $0xF7A  }
0x23: {  	s9 =	sor.u32 $0xD0000000, s2;
	s6 =	simm.s32 $0x108;
	_ =	swait.ge @!p0 [sflag:s8], $0x0  }
0x24: {  	s3 =	sadd.s32 $0x88, s3;
	s6 =	simm.s32 @!p1 $0x1082;
	[sflag:s4] =	ssyncset.s32 $0xFFFFF086  }
0x25: {  	[simem:s6], [sflag:s4] =	dma.local [hbm:s3], $0xF7A  }
0x26: {  	[smem:$0x3F97] =	sst s1;
	(tag) =	ssettag s2;
	_ =	strace s9  }
0x27: {  	s1 =	sld [smem:$0x3FA7]  }
0x28: {  	s2 =	sld [smem:$0x3FA8]  }
0x29: {  	s4 =	sld [smem:$0x3FAA]  }
0x2a: {  	p0 =	seq.s32 s5, $0x0;
	s5 =	sld [smem:$0x3FAB]  }
0x2b: {  	s6 =	sld [smem:$0x3FAC]  }
0x2c: {  	s7 =	sld [smem:$0x3FAD]  }
0x2d: {  	s3 =	simm.s32 $0x108;
	s8 =	sld [smem:$0x3FAE]  }
0x2e: {  	s3 =	simm.s32 @!p0 $0x1082;
	s9 =	sld [smem:$0x3FAF]  }
0x2f: {  	lr =	sadd.s32 s0, s3;
	s0 =	sld [smem:$0x3FA6]  }
0x30: {  	s3 =	sld [smem:$0x3FA9]  }
0x31: {  	[smem:$0x3FB2] =	sst s10  }
0x32: {  	s10 =	sld [smem:$0x3FB0];
	_ =	sdelay $0x3  }
0x33: {  	p0 =	seq.s32 s10, $0x1;
	s10 =	sld [smem:$0x3FB2];
	_ =	sdelay $0x3  }
0x34: {  	[smem:$0x3FB2] =	sst s10  }
0x35: {  	s10 =	sld [smem:$0x3FB1];
	_ =	sdelay $0x3  }
0x36: {  	p1 =	seq.s32 s10, $0x1;
	s10 =	sld [smem:$0x3FB2];
	_ =	sdelay $0x3  }
0x37: {  	[smem:$0x3FB2] =	sst s10  }
0x38: {  	s10 =	sld [smem:$0x3FB3]  }
0x39: {  	_ = 	snop;
	(pc) =	sbr.ind lr, $3  }
0x3a: {  	_ = 	snop  }
0x3b: {  	_ = 	snop  }
0x3c: {  	p2 =	seq.s32 s10, $0x1;
	s10 =	sld [smem:$0x3FB2]  }
0x3d: {  	_ =	shalt  }
0x3e: {  	_ =	shalt  }
0x3f: {  	_ =	shalt  }
0x40: {  	_ =	shalt  }
0x41: {  	_ =	shalt  }
0x42: {  	_ =	shalt  }
0x43: {  	_ =	shalt  }
0x44: {  	_ =	shalt  }
0x45: {  	_ =	shalt  }
0x46: {  	_ =	shalt  }
0x47: {  	_ =	shalt  }
0x48: {  	_ =	shalt  }
0x49: {  	_ =	shalt  }
0x4a: {  	_ =	shalt  }
0x4b: {  	_ =	shalt  }
0x4c: {  	_ =	shalt  }
0x4d: {  	_ =	shalt  }
0x4e: {  	_ =	shalt  }
0x4f: {  	_ =	shalt  }
0x50: {  	_ =	shalt  }
0x51: {  	_ =	shalt  }
0x52: {  	_ =	shalt  }
0x53: {  	_ =	shalt  }
0x54: {  	_ =	shalt  }
0x55: {  	_ =	shalt  }
0x56: {  	_ =	shalt  }
0x57: {  	_ =	shalt  }
0x58: {  	_ =	shalt  }
0x59: {  	_ =	shalt  }
0x5a: {  	_ =	shalt  }
0x5b: {  	_ =	shalt  }
0x5c: {  	_ =	shalt  }
0x5d: {  	_ =	shalt  }
0x5e: {  	_ =	shalt  }
0x5f: {  	_ =	shalt  }
0x60: {  	_ =	shalt  }
0x61: {  	_ =	shalt  }
0x62: {  	_ =	shalt  }
0x63: {  	_ =	shalt  }
0x64: {  	_ =	shalt  }
0x65: {  	_ =	shalt  }
0x66: {  	_ =	shalt  }
0x67: {  	_ =	shalt  }
0x68: {  	_ =	shalt  }
0x69: {  	_ =	shalt  }
0x6a: {  	_ =	shalt  }
0x6b: {  	_ =	shalt  }
0x6c: {  	_ =	shalt  }
0x6d: {  	_ =	shalt  }
0x6e: {  	_ =	shalt  }
0x6f: {  	_ =	shalt  }
0x70: {  	_ =	shalt  }
0x71: {  	_ =	shalt  }
0x72: {  	_ =	shalt  }
0x73: {  	_ =	shalt  }
0x74: {  	_ =	shalt  }
0x75: {  	_ =	shalt  }
0x76: {  	_ =	shalt  }
0x77: {  	_ =	shalt  }
0x78: {  	_ =	shalt  }
0x79: {  	_ =	shalt  }
0x7a: {  	_ =	shalt  }
0x7b: {  	_ =	shalt  }
0x7c: {  	_ =	shalt  }
0x7d: {  	_ =	shalt  }
0x7e: {  	_ =	shalt  }
0x7f: {  	_ =	shalt  }
0x80: {  	_ =	shalt  }
0x81: {  	_ =	shalt  }
0x82: {  	_ =	shalt  }
0x83: {  	_ =	shalt  }
0x84: {  	_ =	shalt  }
0x85: {  	_ =	shalt  }
0x86: {  	_ =	shalt  }
0x87: {  	_ =	shalt  }
.Lfunc_end0:
.L_simem_size_0:
called_computation_lowered:
.L_overlay_start_0:
0x88: {  	s2 =	sld [smem:$0x3FD9]  }
0x89: {  	s3 =	sld [smem:$0x3FFE];
	_ =	sdelay $0x1  }
0x8a: {  	s1 =	srdreg.scid  }
0x8b: {  	s0 =	sand.u32 $0x1, s1  }
0x8c: {  	s16 =	sshll.u32 s0, $0xA;
	s2 =	sadd.s32 s3, s2  }
0x8d: {  	s2 =	sadd.s32 s2, s16  }
0x8e: {  	[smem:$0x3FBE] =	sst s2  }
0x8f: {  	_ = 	snop  }
0x90: {  	(tm) =	ssettm $0x1  }
0x91: {  	s17 =	sld [smem:$0x3FFB];
	_ =	sdelay $0x3  }
0x92: {  	_ =	strace s17  }
0x93: {  	s2 =	sld [smem:$0x3FFC];
	_ =	sdelay $0x3  }
0x94: {  	_ =	strace s2  }
0x95: {  	s2 =	sld [smem:$0x3FFD];
	_ =	sdelay $0x3  }
0x96: {  	_ =	strace s2  }
0x97: {  	_ =	strace $0x8FFFFFFF  }
0x98: {  	s18 =	sld [smem:$0x3FDB];
	_ =	sdelay $0x1  }
0x99: {  	s19 =	simm.s32 $_scs_section_size  }
0x9a: {  	s4 =	simm.s32 $_size__tile_overlayer_lowered;
	s5 =	simm.s32 $_tile_overlayer_lowered  }
0x9b: {  	s22 =	simm.s32 $0x1BFF;
	s21 =	sshll.u32 s5, $0x1;
	s2 =	sadd.s32 s19, s18  }
0x9c: {  	s6 =	simm.s32 $0x0;
	s20 =	sshll.u32 s4, $0x1;
	s4 =	sadd.s32 s21, s2  }
0x9d: {  	[timem:s6], [sflag:s22] =	dma.local [hbm:s4], s20  }
0x9e: {  	_ =	swait.ge [sflag:s22], s20  }
0x9f: {  	s3 =	ssub.s32 $0x0, s20;
	[sflag:s22] =	ssyncset.done $0x0  }
0xa0: {  	[sflag:s22] =	ssyncadd.s32 s3;
	_ =	sdelay $0x1  }
0xa1: {  	s23 =	simm.s32 $0x1B8B  }
0xa2: {  	_ =	swait.ge [sflag:s23], $0x1  }
0xa3: {  	[sflag:s23] =	ssyncset.done $0x0  }
0xa4: {  	s25 =	simm.s32 $0x1B8E;
	s24 =	sld [smem:$0x3FFE];
	[sflag:s23] =	ssyncadd.s32 $0xFFFFFFFF  }
0xa5: {  	s26 =	simm.s32 $execute0_lowered;
	[smem:$0x3FD2] =	sst s25  }
0xa6: {  	s4 =	sshll.u32 s26, $0x1;
	_ =	strace $0x80000046;
	[dreg:$0x1] =	wrdreg $0xFFFFFFFF  }
0xa7: {  	s28 =	simm.s32 $_size_execute0_lowered;
	s2 =	sadd.s32 s2, s4;
	[dreg:$0x0] =	wrdreg $0x0  }
0xa8: {  	s4 =	sshll.u32 s28, $0x1;
	[dreg:$0x2] =	wrdreg s2  }
0xa9: {  	[dreg:$0x3] =	wrdreg s4  }
0xaa: {  	[dreg:$0x4] =	wrdreg $0xC0  }
0xab: {  	_ =	task [dreg:s6], $0x5FFFF  }
0xac: {  	[dreg:$0x1] =	wrdreg $0xFFFFFFFF  }
0xad: {  	[dreg:$0x0] =	wrdreg $0x60  }
0xae: {  	[dreg:$0x2] =	wrdreg s24  }
0xaf: {  	[dreg:$0x3] =	wrdreg $0xFC000  }
0xb0: {  	[dreg:$0x4] =	wrdreg $0x9  }
0xb1: {  	_ =	task.clear_ibuf [dreg:s6], $0x5FFFF;
	_ =	strace $0x90000046  }
0xb2: {  	s29 =	simm.s32 $0x9;
	_ =	strace $0x80000048  }
0xb3: {  	_ =	swait.ge [sflag:s29], $0x1  }
0xb4: {  	[sflag:s29] =	ssyncadd.s32 $0xFFFFFFFF  }
0xb5: {  	_ =	strace $0x90000048  }
0xb6: {  	_ =	sfence  }
0xb7: {  	s30 =	sld [smem:$0x0];
	_ =	sdelay $0x2  }
0xb8: {  	s31 =	sshll.u32 s1, $0xD;
	s1 =	sshrl.u32 s1, $0x2  }
0xb9: {  	s3 =	sand.u32 $0x4000, s31;
	s1 =	sadd.s32 s1, s30  }
0xba: {  	s0 =	sor.u32 s3, s0;
	s1 =	sshll.u32 s1, $0x11  }
0xbb: {  	s0 =	sor.u32 s1, s0  }
0xbc: {  	s0 =	sadd.s32 $0x8F2B, s0  }
0xbd: {  	[sflag:s0] =	ssyncadd.remote.s32 $0x1  }
0xbe: {  	_ =	sfence.sel $0xFFFF  }
0xbf: {  	[dreg:$0x0] =	wrdreg $0xFFFFFFFF;
	(pc) =	sbr.abs _section_cstart, $3  }
0xc0: {  	[dreg:$0x1] =	wrdreg $0xFFFFFFFF  }
0xc1: {  	_ =	task.clear_ibuf [dreg:s6], $0x2FFFF;
	_ =	strace $0x9FFFFFFF  }
0xc2: {  	(tm) =	ssettm $0x7FFFFFFF  }
0xc3: {  	_ =	shalt  }
tec
execute0_lowered:
.L_overlay_start_1:
0x0: {  	(tag) =	ssettag $0x1  }
0x1: {  	s0 =	rddreg [dreg:$0x0]  }
0x2: {  	s1 =	rddreg [dreg:$0x1];
	s3 =	simm.s32 $0x0;
	s2 =	srdreg.scid  }
0x3: {  	s8 =	stileid.u32;
	s15 =	simm.s32 $0x4;
	s17 =	simm.s32 $0x1  }
0x4: {  	s18 =	simm.s32 $0x700;
	s19 =	simm.s32 $0x1500;
	s20 =	simm.s32 $0x2  }
0x5: {  	s21 =	simm.s32 $0x80;
	s22 =	simm.s32 $0x3;
	s11 =	smul.u32 $0xC800, s8  }
0x6: {  	s31 =	simm.s32 $0xF400;
	[smem:$0x7FF] =	sst s3;
	s7 =	smul.u32 $0x32000, s8  }
0x7: {  	s2 =	sand.u32 $0x1, s2;
	s6 =	sshll.u32 s8, $0x1;
	s8 =	smul.u32 $0xC400, s8  }
0x8: {  	s4 =	sadd.s32 $0x2000, s0;
	s12 =	sadd.s32 $0xC6000, s0;
	s5 =	smul.u32 $0xC8000, s2  }
0x9: {  	s6 =	sor.u32 s2, s6;
	s26 =	ssub.s32 $0x2, s2;
	s2 =	smul.u32 $0x6200, s2  }
0xa: {  	s13 =	sadd.s32 $0xDE800, s0;
	_ =	strace $0x80000047;
	s6 =	smul.u32 $0x6200, s6  }
0xb: {  	s9 =	sshrl.u32 s26, $0x1;
	s7 =	sshrl.u32 s7, $0x2;
	s16 =	sadd.s32 s11, s1  }
0xc: {  	s5 =	sadd.s32 s11, s5;
	s14 =	ssub.s32 s26, s9;
	s2 =	sadd.s32 s2, s8  }
0xd: {  	s25 =	sshrl.u32 s16, $0x3;
	s5 =	sshrl.u32 s5, $0x3;
	s28 =	sshrl.u32 s6, $0x3  }
0xe: {  	s2 =	sadd.s32 $0xE00, s2;
	s11 =	smax.u32 s14, $0x1;
	s14 =	simm.s32 $0x1C00  }
0xf: {  	s0 =	sadd.s32 s5, s0;
	s5 =	sadd.s32 s7, s1;
	s6 =	sadd.s32 s12, s28  }
0x10: {  	s29 =	sadd.s32 $0xE0, s28;
	s7 =	sadd.s32 s13, s28;
	s30 =	sshrl.u32 s2, $0x3  }
0x11: {  	s8 =	sadd.s32 s12, s29;
	s9 =	sadd.s32 s13, s29;
	s10 =	sadd.s32 $0xF7000, s0  }
0x12: {  	v0 =	vimm.f32 $0.0e+00;
	s23 =	sadd.s32 s30, s13;
	s2 =	sadd.s32 s30, s12;
	s0 =	simm.s32 $0x0  }
.LBB2_1:
0x13: {  	s12 =	simm.s32 $0x1C40  }
0x14: {  	[tilespmem:s12+$0xFFFFFFC0] =	vst v0  }
0x15: {  	[tilespmem:s12+$0x30] =	vst v0  }
0x16: {  	[tilespmem:s12+$0x20] =	vst v0  }
0x17: {  	[tilespmem:s12+$0x10] =	vst v0  }
0x18: {  	[tilespmem:s12+$0x0] =	vst v0  }
0x19: {  	[tilespmem:s12+$0xFFFFFFF0] =	vst v0  }
0x1a: {  	s13 =	simm.s32 $0x0;
	[tilespmem:s12+$0xFFFFFFE0] =	vst v0  }
.LBB2_2:
0x1b: {  	s13 =	sadd.s32 $0x8, s13;
	[tilespmem:s12+$0xFFFFFFD0] =	vst v0;
	s12 =	sadd.s32 $0x80, s12  }
0x1c: {  	[tilespmem:s12+$0xFFFFFFC0] =	vst v0;
	p0 =	slt.u32 s13, $0x78  }
0x1d: {  	[tilespmem:s12+$0x30] =	vst v0  }
.Ltmp0:
0x1e: {  	[tilespmem:s12+$0x20] =	vst v0;
	(pc) =	sbr.rel @p0 .LBB2_2-.Ltmp0, $4  }
0x1f: {  	[tilespmem:s12+$0x10] =	vst v0  }
0x20: {  	[tilespmem:s12+$0x0] =	vst v0  }
0x21: {  	[tilespmem:s12+$0xFFFFFFF0] =	vst v0  }
0x22: {  	[tilespmem:s12+$0xFFFFFFE0] =	vst v0  }
0x23: {  	[tilespmem:s12+$0xFFFFFFD0] =	vst v0;
	s30 =	sadd.s32 $0x0, s5  }
0x24: {  	[spmem:s30] =	stream.linear.scatter [tilespmem:s14], [sflag:$0x4], $0x800, $0x38;
	[tilespmem:$0x1C400] =	vst v63  }
0x25: {  	s12 =	simm.s32 $0x2000;
	_ =	swait.ge [sflag:s15], $0x800  }
.LBB2_4:
0x26: {  	s13 =	sshra.s32 s12, $0x2;
	[sflag:s15] =	ssyncset.done $0x0;
	p0 =	sne.s32 s12, $0x30000  }
.Ltmp1:
0x27: {  	s13 =	sadd.s32 s13, s5;
	[sflag:s15] =	ssyncadd.s32 $0xFFFFF800;
	(pc) =	sbr.rel @p0 .LBB2_4-.Ltmp1, $3  }
0x28: {  	[spmem:s13] =	stream.linear.scatter [tilespmem:s14], [sflag:$0x4], $0x800, $0x38;
	[tilespmem:$0x1C400] =	vst v63  }
0x29: {  	s12 =	sadd.s32 $0x2000, s12;
	_ =	sdelay $0x1  }
0x2a: {  	_ =	swait.ge [sflag:s15], $0x800  }
0x2b: {  	[sflag:s15] =	ssyncset.done $0x0  }
0x2c: {  	[sflag:s15] =	ssyncadd.s32 $0xFFFFF800  }
0x2d: {  	[tilespmem:s3], [sflag:$0x1] =	stream.linear.gather [hbm4b:s6+s3], $0x700, $0x38;
	[tilespmem:$0x1C400] =	vst v63  }
0x2e: {  	s12 =	simm.s32 $0xE00  }
0x2f: {  	[tilespmem:s12], [sflag:$0x1] =	stream.linear.gather [hbm4b:s7+s3], $0x700, $0x38;
	[tilespmem:$0x1C400] =	vst v63  }
0x30: {  	[bflag:$0x0] =	sbarrier.arrive $0xFFFF  }
0x31: {  	_ =	swait.ge [sflag:s17], $0x700  }
0x32: {  	[sflag:s17] =	ssyncset.done $0x0  }
0x33: {  	[sflag:s17] =	ssyncadd.s32 $0xFFFFF900  }
0x34: {  	_ =	swait.ge [sflag:s17], $0x700  }
0x35: {  	[sflag:s17] =	ssyncset.done $0x0  }
0x36: {  	[sflag:s17] =	ssyncadd.s32 $0xFFFFF900  }
0x37: {  	[tilespmem:s14], [sflag:$0x2] =	stream.indirect.gather [hbm4b:s4+s18], $0x10, s3, s18, $0xb8;
	[tilespmem:$0x1C400] =	vst v63  }
0x38: {  	_ = 	snop  }
0x39: {  	[tilespmem:s18], [sflag:$0x1] =	stream.linear.gather [hbm4b:s8+s3], $0x700, $0x38;
	[tilespmem:$0x1C400] =	vst v63  }
0x3a: {  	s16 =	simm.s32 $0xFFFFFFF3;
	s13 =	smov.u32 s2;
	s12 =	smov.u32 s23  }
0x3b: {  	[tilespmem:s19], [sflag:$0x1] =	stream.linear.gather [hbm4b:s9+s3], $0x700, $0x38;
	[tilespmem:$0x1C400] =	vst v63  }
.LBB2_6:
0x3c: {  	_ =	swait.ge [sflag:s17], $0x700  }
0x3d: {  	[sflag:s17] =	ssyncset.done $0x0  }
0x3e: {  	s24 =	sadd.s32 $0xE, s16;
	[sflag:s17] =	ssyncadd.s32 $0xFFFFF900  }
0x3f: {  	s24 =	sand.u32 $0x1, s24;
	_ =	swait.ge [sflag:s17], $0x700  }
0x40: {  	s26 =	smul.u32 $0x1C00, s24;
	[sflag:s17] =	ssyncset.done $0x0  }
0x41: {  	s28 =	smul.u32 $0x1C000, s24;
	s24 =	sxor.u32 $0x1, s24;
	[sflag:s17] =	ssyncadd.s32 $0xFFFFF900  }
0x42: {  	s29 =	smul.u32 $0x1C000, s24;
	_ =	swait.ge [sflag:s20], $0x7000  }
0x43: {  	s24 =	smul.u32 $0x700, s24;
	s28 =	sshrl.u32 s28, $0x2;
	[sflag:s20] =	ssyncset.done $0x0  }
0x44: {  	s26 =	sshrl.u32 s26, $0x2;
	s28 =	sadd.s32 $0x1C00, s28;
	[sflag:s20] =	ssyncadd.s32 $0xFFFF9000  }
0x45: {  	[tilespmem:s28], [sflag:$0x2] =	stream.indirect.gather [hbm4b:s4+s18], $0x10, s26, s18, $0xb8;
	[tilespmem:$0x1C400] =	vst v63  }
0x46: {  	s28 =	sshrl.u32 s29, $0x2  }
0x47: {  	s26 =	sadd.s32 $0xE00, s24;
	s29 =	sadd.s32 $0x1C00, s28  }
0x48: {  	[spmem:s1] =	stream.indirect.scatter.add.f32 [tilespmem:s29], [sflag:$0x3], $0x10, s26, s21, $0xb8;
	[tilespmem:$0x1C400] =	vst v63  }
0x49: {  	s30 =	sadd.s32 $0xE80, s24;
	s29 =	sadd.s32 $0x2400, s28  }
0x4a: {  	[spmem:s1] =	stream.indirect.scatter.add.f32 [tilespmem:s29], [sflag:$0x3], $0x10, s30, s21, $0xb8;
	[tilespmem:$0x1C400] =	vst v63  }
0x4b: {  	s29 =	sadd.s32 $0x2C00, s28;
	s30 =	sadd.s32 $0xF00, s24  }
0x4c: {  	[spmem:s1] =	stream.indirect.scatter.add.f32 [tilespmem:s29], [sflag:$0x3], $0x10, s30, s21, $0xb8;
	[tilespmem:$0x1C400] =	vst v63  }
0x4d: {  	s29 =	sadd.s32 $0x3400, s28;
	s30 =	sadd.s32 $0xF80, s24  }
0x4e: {  	[spmem:s1] =	stream.indirect.scatter.add.f32 [tilespmem:s29], [sflag:$0x3], $0x10, s30, s21, $0xb8;
	[tilespmem:$0x1C400] =	vst v63  }
0x4f: {  	s29 =	sadd.s32 $0x3C00, s28;
	s30 =	sor.u32 $0x1000, s24  }
0x50: {  	[spmem:s1] =	stream.indirect.scatter.add.f32 [tilespmem:s29], [sflag:$0x3], $0x10, s30, s21, $0xb8;
	[tilespmem:$0x1C400] =	vst v63  }
0x51: {  	s29 =	sadd.s32 $0x4400, s28;
	s30 =	sor.u32 $0x1080, s24  }
0x52: {  	[spmem:s1] =	stream.indirect.scatter.add.f32 [tilespmem:s29], [sflag:$0x3], $0x10, s30, s21, $0xb8;
	[tilespmem:$0x1C400] =	vst v63  }
0x53: {  	s29 =	sadd.s32 $0x4C00, s28;
	s30 =	sadd.s32 $0x1100, s24  }
0x54: {  	[spmem:s1] =	stream.indirect.scatter.add.f32 [tilespmem:s29], [sflag:$0x3], $0x10, s30, s21, $0xb8;
	[tilespmem:$0x1C400] =	vst v63  }
0x55: {  	s29 =	sadd.s32 $0x5400, s28;
	s30 =	sadd.s32 $0x1180, s24  }
0x56: {  	[spmem:s1] =	stream.indirect.scatter.add.f32 [tilespmem:s29], [sflag:$0x3], $0x10, s30, s21, $0xb8;
	[tilespmem:$0x1C400] =	vst v63  }
0x57: {  	s29 =	sadd.s32 $0x5C00, s28;
	s30 =	sadd.s32 $0x1200, s24  }
0x58: {  	[spmem:s1] =	stream.indirect.scatter.add.f32 [tilespmem:s29], [sflag:$0x3], $0x10, s30, s21, $0xb8;
	[tilespmem:$0x1C400] =	vst v63  }
0x59: {  	s29 =	sadd.s32 $0x6400, s28;
	s30 =	sadd.s32 $0x1280, s24  }
0x5a: {  	[spmem:s1] =	stream.indirect.scatter.add.f32 [tilespmem:s29], [sflag:$0x3], $0x10, s30, s21, $0xb8;
	[tilespmem:$0x1C400] =	vst v63  }
0x5b: {  	s29 =	sadd.s32 $0x6C00, s28;
	s30 =	sadd.s32 $0x1300, s24  }
0x5c: {  	[spmem:s1] =	stream.indirect.scatter.add.f32 [tilespmem:s29], [sflag:$0x3], $0x10, s30, s21, $0xb8;
	[tilespmem:$0x1C400] =	vst v63  }
0x5d: {  	s29 =	sadd.s32 $0x7400, s28;
	s30 =	sadd.s32 $0x1380, s24  }
0x5e: {  	[spmem:s1] =	stream.indirect.scatter.add.f32 [tilespmem:s29], [sflag:$0x3], $0x10, s30, s21, $0xb8;
	[tilespmem:$0x1C400] =	vst v63  }
0x5f: {  	s29 =	sadd.s32 $0x7C00, s28;
	s30 =	sadd.s32 $0x1400, s24  }
0x60: {  	[spmem:s1] =	stream.indirect.scatter.add.f32 [tilespmem:s29], [sflag:$0x3], $0x10, s30, s21, $0xb8;
	[tilespmem:$0x1C400] =	vst v63  }
0x61: {  	s28 =	sor.u32 $0x8400, s28;
	s30 =	sadd.s32 $0x1480, s24  }
0x62: {  	[spmem:s1] =	stream.indirect.scatter.add.f32 [tilespmem:s28], [sflag:$0x3], $0x10, s30, s21, $0xb8;
	[tilespmem:$0x1C400] =	vst v63  }
0x63: {  	_ =	swait.ge [sflag:s22], $0x800  }
0x64: {  	[sflag:s22] =	ssyncset.done $0x0  }
0x65: {  	[sflag:s22] =	ssyncadd.s32 $0xFFFFF800  }
0x66: {  	_ =	swait.ge [sflag:s22], $0x800  }
0x67: {  	[sflag:s22] =	ssyncset.done $0x0  }
0x68: {  	[sflag:s22] =	ssyncadd.s32 $0xFFFFF800  }
0x69: {  	_ =	swait.ge [sflag:s22], $0x800  }
0x6a: {  	[sflag:s22] =	ssyncset.done $0x0  }
0x6b: {  	[sflag:s22] =	ssyncadd.s32 $0xFFFFF800  }
0x6c: {  	_ =	swait.ge [sflag:s22], $0x800  }
0x6d: {  	[sflag:s22] =	ssyncset.done $0x0  }
0x6e: {  	[sflag:s22] =	ssyncadd.s32 $0xFFFFF800  }
0x6f: {  	_ =	swait.ge [sflag:s22], $0x800  }
0x70: {  	[sflag:s22] =	ssyncset.done $0x0  }
0x71: {  	[sflag:s22] =	ssyncadd.s32 $0xFFFFF800  }
0x72: {  	_ =	swait.ge [sflag:s22], $0x800  }
0x73: {  	[sflag:s22] =	ssyncset.done $0x0  }
0x74: {  	[sflag:s22] =	ssyncadd.s32 $0xFFFFF800  }
0x75: {  	_ =	swait.ge [sflag:s22], $0x800  }
0x76: {  	[sflag:s22] =	ssyncset.done $0x0  }
0x77: {  	[sflag:s22] =	ssyncadd.s32 $0xFFFFF800  }
0x78: {  	_ =	swait.ge [sflag:s22], $0x800  }
0x79: {  	[sflag:s22] =	ssyncset.done $0x0  }
0x7a: {  	[sflag:s22] =	ssyncadd.s32 $0xFFFFF800  }
0x7b: {  	_ =	swait.ge [sflag:s22], $0x800  }
0x7c: {  	[sflag:s22] =	ssyncset.done $0x0  }
0x7d: {  	[sflag:s22] =	ssyncadd.s32 $0xFFFFF800  }
0x7e: {  	_ =	swait.ge [sflag:s22], $0x800  }
0x7f: {  	[sflag:s22] =	ssyncset.done $0x0  }
0x80: {  	[sflag:s22] =	ssyncadd.s32 $0xFFFFF800  }
0x81: {  	_ =	swait.ge [sflag:s22], $0x800  }
0x82: {  	[sflag:s22] =	ssyncset.done $0x0  }
0x83: {  	[sflag:s22] =	ssyncadd.s32 $0xFFFFF800  }
0x84: {  	_ =	swait.ge [sflag:s22], $0x800  }
0x85: {  	[sflag:s22] =	ssyncset.done $0x0  }
0x86: {  	[sflag:s22] =	ssyncadd.s32 $0xFFFFF800  }
0x87: {  	_ =	swait.ge [sflag:s22], $0x800  }
0x88: {  	p0 =	seq.s32 s16, $0xFFFFFFFF;
	[sflag:s22] =	ssyncset.done $0x0  }
0x89: {  	s16 =	sadd.s32 @!p0 $0x1, s16;
	[sflag:s22] =	ssyncadd.s32 $0xFFFFF800  }
0x8a: {  	p1 =	seq.s32 @!p0 s16, $0x0;
	_ =	swait.ge [sflag:s22], $0x800  }
0x8b: {  	p1 =	por p0, p1;
	[sflag:s22] =	ssyncset.done $0x0  }
.Ltmp2:
0x8c: {  	s28 =	simm.s32 @!p0 $0x0;
	[sflag:s22] =	ssyncadd.s32 $0xFFFFF800;
	(pc) =	sbr.rel @!p1 .LBB2_6-.Ltmp2, $4  }
0x8d: {  	[tilespmem:s24], [sflag:$0x1] =	stream.linear.gather @!p0 [hbm4b:s13+s28], $0x700, $0x38;
	[tilespmem:$0x1C400] =	vst v63  }
0x8e: {  	_ = 	snop  }
0x8f: {  	[tilespmem:s26], [sflag:$0x1] =	stream.linear.gather @!p0 [hbm4b:s12+s28], $0x700, $0x38;
	[tilespmem:$0x1C400] =	vst v63  }
0x90: {  	s13 =	sadd.s32 @!p0 $0xE0, s13;
	s12 =	sadd.s32 @!p0 $0xE0, s12  }
0x91: {  	_ =	swait.ge [sflag:s20], $0x7000  }
0x92: {  	[sflag:s20] =	ssyncset.done $0x0  }
0x93: {  	s12 =	simm.s32 $0x8C00;
	[sflag:s20] =	ssyncadd.s32 $0xFFFF9000  }
0x94: {  	[spmem:s1] =	stream.indirect.scatter.add.f32 [tilespmem:s12], [sflag:$0x3], $0x10, s19, s21, $0xb8;
	[tilespmem:$0x1C400] =	vst v63  }
0x95: {  	s30 =	simm.s32 $0x1580;
	s13 =	simm.s32 $0x9400  }
0x96: {  	[spmem:s1] =	stream.indirect.scatter.add.f32 [tilespmem:s13], [sflag:$0x3], $0x10, s30, s21, $0xb8;
	[tilespmem:$0x1C400] =	vst v63  }
0x97: {  	s16 =	simm.s32 $0x1600;
	s24 =	simm.s32 $0x9C00  }
0x98: {  	[spmem:s1] =	stream.indirect.scatter.add.f32 [tilespmem:s24], [sflag:$0x3], $0x10, s16, s21, $0xb8;
	[tilespmem:$0x1C400] =	vst v63  }
0x99: {  	s26 =	simm.s32 $0x1680;
	s28 =	simm.s32 $0xA400  }
0x9a: {  	[spmem:s1] =	stream.indirect.scatter.add.f32 [tilespmem:s28], [sflag:$0x3], $0x10, s26, s21, $0xb8;
	[tilespmem:$0x1C400] =	vst v63  }
0x9b: {  	s29 =	simm.s32 $0x1700;
	s30 =	simm.s32 $0xAC00  }
0x9c: {  	[spmem:s1] =	stream.indirect.scatter.add.f32 [tilespmem:s30], [sflag:$0x3], $0x10, s29, s21, $0xb8;
	[tilespmem:$0x1C400] =	vst v63  }
0x9d: {  	s16 =	simm.s32 $0x1780;
	s24 =	simm.s32 $0xB400  }
0x9e: {  	[spmem:s1] =	stream.indirect.scatter.add.f32 [tilespmem:s24], [sflag:$0x3], $0x10, s16, s21, $0xb8;
	[tilespmem:$0x1C400] =	vst v63  }
0x9f: {  	s26 =	simm.s32 $0x1800;
	s28 =	simm.s32 $0xBC00  }
0xa0: {  	[spmem:s1] =	stream.indirect.scatter.add.f32 [tilespmem:s28], [sflag:$0x3], $0x10, s26, s21, $0xb8;
	[tilespmem:$0x1C400] =	vst v63  }
0xa1: {  	s29 =	simm.s32 $0x1880;
	s30 =	simm.s32 $0xC400  }
0xa2: {  	[spmem:s1] =	stream.indirect.scatter.add.f32 [tilespmem:s30], [sflag:$0x3], $0x10, s29, s21, $0xb8;
	[tilespmem:$0x1C400] =	vst v63  }
0xa3: {  	s16 =	simm.s32 $0x1900;
	s24 =	simm.s32 $0xCC00  }
0xa4: {  	[spmem:s1] =	stream.indirect.scatter.add.f32 [tilespmem:s24], [sflag:$0x3], $0x10, s16, s21, $0xb8;
	[tilespmem:$0x1C400] =	vst v63  }
0xa5: {  	s26 =	simm.s32 $0x1980;
	s28 =	simm.s32 $0xD400  }
0xa6: {  	[spmem:s1] =	stream.indirect.scatter.add.f32 [tilespmem:s28], [sflag:$0x3], $0x10, s26, s21, $0xb8;
	[tilespmem:$0x1C400] =	vst v63  }
0xa7: {  	s29 =	simm.s32 $0x1A00;
	s30 =	simm.s32 $0xDC00  }
0xa8: {  	[spmem:s1] =	stream.indirect.scatter.add.f32 [tilespmem:s30], [sflag:$0x3], $0x10, s29, s21, $0xb8;
	[tilespmem:$0x1C400] =	vst v63  }
0xa9: {  	s16 =	simm.s32 $0x1A80;
	s24 =	simm.s32 $0xE400  }
0xaa: {  	[spmem:s1] =	stream.indirect.scatter.add.f32 [tilespmem:s24], [sflag:$0x3], $0x10, s16, s21, $0xb8;
	[tilespmem:$0x1C400] =	vst v63  }
0xab: {  	s26 =	simm.s32 $0x1B00;
	s28 =	simm.s32 $0xEC00  }
0xac: {  	[spmem:s1] =	stream.indirect.scatter.add.f32 [tilespmem:s28], [sflag:$0x3], $0x10, s26, s21, $0xb8;
	[tilespmem:$0x1C400] =	vst v63  }
0xad: {  	s29 =	simm.s32 $0x1B80  }
0xae: {  	[spmem:s1] =	stream.indirect.scatter.add.f32 [tilespmem:s31], [sflag:$0x3], $0x10, s29, s21, $0xb8;
	[tilespmem:$0x1C400] =	vst v63  }
0xaf: {  	_ =	swait.ge [sflag:s22], $0x800  }
0xb0: {  	[sflag:s22] =	ssyncset.done $0x0  }
0xb1: {  	[sflag:s22] =	ssyncadd.s32 $0xFFFFF800  }
0xb2: {  	_ =	swait.ge [sflag:s22], $0x800  }
0xb3: {  	[sflag:s22] =	ssyncset.done $0x0  }
0xb4: {  	[sflag:s22] =	ssyncadd.s32 $0xFFFFF800  }
0xb5: {  	_ =	swait.ge [sflag:s22], $0x800  }
0xb6: {  	[sflag:s22] =	ssyncset.done $0x0  }
0xb7: {  	[sflag:s22] =	ssyncadd.s32 $0xFFFFF800  }
0xb8: {  	_ =	swait.ge [sflag:s22], $0x800  }
0xb9: {  	[sflag:s22] =	ssyncset.done $0x0  }
0xba: {  	[sflag:s22] =	ssyncadd.s32 $0xFFFFF800  }
0xbb: {  	_ =	swait.ge [sflag:s22], $0x800  }
0xbc: {  	[sflag:s22] =	ssyncset.done $0x0  }
0xbd: {  	[sflag:s22] =	ssyncadd.s32 $0xFFFFF800  }
0xbe: {  	_ =	swait.ge [sflag:s22], $0x800  }
0xbf: {  	[sflag:s22] =	ssyncset.done $0x0  }
0xc0: {  	[sflag:s22] =	ssyncadd.s32 $0xFFFFF800  }
0xc1: {  	_ =	swait.ge [sflag:s22], $0x800  }
0xc2: {  	[sflag:s22] =	ssyncset.done $0x0  }
0xc3: {  	[sflag:s22] =	ssyncadd.s32 $0xFFFFF800  }
0xc4: {  	_ =	swait.ge [sflag:s22], $0x800  }
0xc5: {  	[sflag:s22] =	ssyncset.done $0x0  }
0xc6: {  	[sflag:s22] =	ssyncadd.s32 $0xFFFFF800  }
0xc7: {  	_ =	swait.ge [sflag:s22], $0x800  }
0xc8: {  	[sflag:s22] =	ssyncset.done $0x0  }
0xc9: {  	[sflag:s22] =	ssyncadd.s32 $0xFFFFF800  }
0xca: {  	_ =	swait.ge [sflag:s22], $0x800  }
0xcb: {  	[sflag:s22] =	ssyncset.done $0x0  }
0xcc: {  	[sflag:s22] =	ssyncadd.s32 $0xFFFFF800  }
0xcd: {  	_ =	swait.ge [sflag:s22], $0x800  }
0xce: {  	[sflag:s22] =	ssyncset.done $0x0  }
0xcf: {  	[sflag:s22] =	ssyncadd.s32 $0xFFFFF800  }
0xd0: {  	_ =	swait.ge [sflag:s22], $0x800  }
0xd1: {  	[sflag:s22] =	ssyncset.done $0x0  }
0xd2: {  	[sflag:s22] =	ssyncadd.s32 $0xFFFFF800  }
0xd3: {  	_ =	swait.ge [sflag:s22], $0x800  }
0xd4: {  	[sflag:s22] =	ssyncset.done $0x0  }
0xd5: {  	[sflag:s22] =	ssyncadd.s32 $0xFFFFF800  }
0xd6: {  	_ =	swait.ge [sflag:s22], $0x800  }
0xd7: {  	s0 =	sadd.s32 $0x1, s0;
	s30 =	stileid.u32;
	[sflag:s22] =	ssyncset.done $0x0  }
0xd8: {  	p0 =	sne.s32 s0, s11;
	s12 =	sshll.u32 s30, $0x6;
	[sflag:s22] =	ssyncadd.s32 $0xFFFFF800  }
.Ltmp3:
0xd9: {  	s12 =	sor.u32 $0x1C04, s12;
	[bflag:$0x0] =	sbarrier.arrive $0xFFFF;
	(pc) =	sbr.rel @p0 .LBB2_1-.Ltmp3, $4  }
0xda: {  	[hbm:s10], [sflag:s12] =	dma.local [spmem:s25], $0x1900  }
0xdb: {  	_ =	swait.ge [sflag:s15], $0x1900  }
0xdc: {  	[sflag:s15] =	ssyncset.done $0x0  }
0xdd: {  	[sflag:s15] =	ssyncadd.s32 $0xFFFFE700  }
0xde: {  	_ =	sfence.sel $0x180000  }
0xdf: {  	[bflag:$0x0] =	sbarrier.arrive $0xFFFF  }
0xe0: {  	_ =	strace $0x90000047  }
0xe1: {  	s0 =	stileid.u32;
	[bflag:$0x2] =	sbarrier.arrive $0xFFFF  }
0xe2: {  	p0 =	sne.s32 s0, $0x0;
	s0 =	rddreg [dreg:$0x2]  }
0xe3: {  	s0 =	sadd.s32 @!p0 $0x100000, s0  }
0xe4: {  	[sflag:s0] =	ssyncadd.tile.s32 @!p0 $0x1;
	_ =	shalt  }
.Lfunc_end2:
_tile_overlayer_lowered:
.L_overlay_start_2:
0xe5: {  	(tag) =	ssettag $0x2  }
0xe6: {  	s0 =	rddreg [dreg:$0x0];
	s2 =	stileid.u32  }
0xe7: {  	s1 =	rddreg [dreg:$0x1];
	p0 =	sne.s32 s2, $0x0  }
0xe8: {  	s3 =	rddreg [dreg:$0x2];
	[bflag:$0x3] =	sbarrier.arrive $0xFFFF;
	s2 =	simm.s32 @!p0 $0x1C04  }
0xe9: {  	[timem:s3], [sflag:s2] =	dma.local @!p0 [hbm:s0], s1  }
0xea: {  	s0 =	simm.s32 @!p0 $0x4  }
0xeb: {  	_ =	swait.ge @!p0 [sflag:s0], s1  }
0xec: {  	s1 =	ssub.s32 @!p0 $0x0, s1;
	[sflag:s0] =	ssyncset.done @!p0 $0x0  }
0xed: {  	[sflag:s0] =	ssyncadd.s32 @!p0 s1  }
0xee: {  	[bflag:$0x3] =	sbarrier.arrive $0xFFFF  }
0xef: {  	_ =	shalt  }

</sc_bundles>
